<compile_context>
chip_gen: v7x
topology: tpu7x:2x2x1
jax: 0.10.2.dev20260603
libtpu: 0.0.44.dev20260713+nightly
codegen_flags: <defaults>
</compile_context>

<pallas_src>
import functools

import jax
import jax.numpy as jnp
from jax import lax
from jax.experimental import pallas as pl
from jax.experimental.pallas import tpu as pltpu
from jax.experimental.pallas import tpu_sc as plsc

_NC = 2
_NS = 16


def _sc_mesh():
    return plsc.VectorSubcoreMesh(
        core_axis_name="c", subcore_axis_name="s",
        num_cores=_NC, num_subcores=_NS)


def _make_deg_kernel(NPAD, D, K, CH):
    RP = NPAD // _NS

    @functools.partial(
        pl.kernel,
        out_type=jax.ShapeDtypeStruct((_NC, NPAD, D), jnp.float32),
        mesh=_sc_mesh(),
        scratch_types=[
            pltpu.VMEM((2 * K, CH), jnp.int32),
            pltpu.VMEM((CH, D), jnp.float32),
            pltpu.VMEM_SHARED((NPAD, D), jnp.float32),
        ])
    def deg_kernel(src_hbm, dst_hbm, ones_hbm, zeros_hbm, out_hbm,
                   idx_v, ones_v, hist):
        c = lax.axis_index("c")
        s = lax.axis_index("s")
        pltpu.sync_copy(zeros_hbm, hist.at[pl.ds(s * RP, RP)])
        pltpu.sync_copy(ones_hbm, ones_v)

        @pl.when(c == 0)
        def _():
            pltpu.sync_copy(src_hbm.at[s], idx_v.at[pl.ds(0, K)])
            pltpu.sync_copy(src_hbm.at[s + _NS], idx_v.at[pl.ds(K, K)])

        @pl.when(c == 1)
        def _():
            pltpu.sync_copy(dst_hbm.at[s], idx_v.at[pl.ds(0, K)])
            pltpu.sync_copy(dst_hbm.at[s + _NS], idx_v.at[pl.ds(K, K)])

        plsc.subcore_barrier()

        def body(k, carry):
            pltpu.sync_copy(ones_v, hist.at[idx_v.at[k]], add=True)
            return carry

        lax.fori_loop(0, 2 * K, body, 0)
        plsc.subcore_barrier()
        pltpu.sync_copy(hist.at[pl.ds(s * RP, RP)],
                        out_hbm.at[c, pl.ds(s * RP, RP)])

    return deg_kernel


def _make_agg_kernel(NPAD, D, K, CH):
    RP = NPAD // _NS

    @functools.partial(
        pl.kernel,
        out_type=jax.ShapeDtypeStruct((_NC, NPAD, D), jnp.float32),
        mesh=_sc_mesh(),
        scratch_types=[
            pltpu.VMEM((K, CH), jnp.int32),
            pltpu.VMEM((K, CH), jnp.int32),
            pltpu.VMEM((CH, D), jnp.float32),
            pltpu.VMEM_SHARED((NPAD, D), jnp.float32),
            pltpu.SemaphoreType.DMA,
        ])
    def agg_kernel(y_hbm, src_hbm, dst_hbm, zeros_hbm, out_hbm,
                   src_v, dst_v, rows_v, z_sh, sem):
        c = lax.axis_index("c")
        s = lax.axis_index("s")
        wid = s * _NC + c
        pltpu.sync_copy(zeros_hbm, z_sh.at[pl.ds(s * RP, RP)])
        pltpu.sync_copy(src_hbm.at[wid], src_v)
        pltpu.sync_copy(dst_hbm.at[wid], dst_v)
        plsc.subcore_barrier()

        def body(k, carry):
            pltpu.async_copy(y_hbm.at[src_v.at[k]], rows_v, sem).wait()
            pltpu.sync_copy(rows_v, z_sh.at[dst_v.at[k]], add=True)
            return carry

        lax.fori_loop(0, K, body, 0)
        plsc.subcore_barrier()
        pltpu.sync_copy(z_sh.at[pl.ds(s * RP, RP)],
                        out_hbm.at[c, pl.ds(s * RP, RP)])

    return agg_kernel


def _mm_first(x, w, do, blk):
    NPAD, D = x.shape

    def body(x_ref, w_ref, do_ref, o_ref):
        scale = lax.rsqrt(jnp.clip(do_ref[...], 1.0, None))
        o_ref[...] = jnp.dot(x_ref[...], w_ref[...],
                             preferred_element_type=jnp.float32) * scale

    return pl.pallas_call(
        body,
        grid=(NPAD // blk,),
        in_specs=[pl.BlockSpec((blk, D), lambda i: (i, 0)),
                  pl.BlockSpec((D, D), lambda i: (0, 0)),
                  pl.BlockSpec((blk, 1), lambda i: (i, 0))],
        out_specs=pl.BlockSpec((blk, D), lambda i: (i, 0)),
        out_shape=jax.ShapeDtypeStruct((NPAD, D), jnp.float32),
    )(x, w, do)


def _mm_mid(z0, z1, di, do, b, w, blk):
    NPAD, D = z0.shape

    def body(z0_ref, z1_ref, di_ref, do_ref, b_ref, w_ref, o_ref):
        si = lax.rsqrt(jnp.clip(di_ref[...], 1.0, None))
        so = lax.rsqrt(jnp.clip(do_ref[...], 1.0, None))
        h = jnp.maximum((z0_ref[...] + z1_ref[...]) * si + b_ref[...], 0.0)
        o_ref[...] = jnp.dot(h, w_ref[...],
                             preferred_element_type=jnp.float32) * so

    dspec = pl.BlockSpec((blk, 1), lambda i: (i, 0))
    return pl.pallas_call(
        body,
        grid=(NPAD // blk,),
        in_specs=[pl.BlockSpec((blk, D), lambda i: (i, 0)),
                  pl.BlockSpec((blk, D), lambda i: (i, 0)),
                  dspec, dspec,
                  pl.BlockSpec((1, D), lambda i: (0, 0)),
                  pl.BlockSpec((D, D), lambda i: (0, 0))],
        out_specs=pl.BlockSpec((blk, D), lambda i: (i, 0)),
        out_shape=jax.ShapeDtypeStruct((NPAD, D), jnp.float32),
    )(z0, z1, di, do, b, w)


def _mm_last(z0, z1, di, b, blk):
    NPAD, D = z0.shape

    def body(z0_ref, z1_ref, di_ref, b_ref, o_ref):
        si = lax.rsqrt(jnp.clip(di_ref[...], 1.0, None))
        o_ref[...] = jnp.maximum(
            (z0_ref[...] + z1_ref[...]) * si + b_ref[...], 0.0)

    return pl.pallas_call(
        body,
        grid=(NPAD // blk,),
        in_specs=[pl.BlockSpec((blk, D), lambda i: (i, 0)),
                  pl.BlockSpec((blk, D), lambda i: (i, 0)),
                  pl.BlockSpec((blk, 1), lambda i: (i, 0)),
                  pl.BlockSpec((1, D), lambda i: (0, 0))],
        out_specs=pl.BlockSpec((blk, D), lambda i: (i, 0)),
        out_shape=jax.ShapeDtypeStruct((NPAD, D), jnp.float32),
    )(z0, z1, di, b)


def kernel(features, edge_index, W1, b1, W2, b2):
    N, D = features.shape
    E = edge_index.shape[1]
    NW = _NC * _NS
    CH = 128
    K = -(-E // (NW * CH))
    EPAD = NW * K * CH
    BLK = 1024
    NPAD = (N // BLK + 1) * BLK

    feat_pad = jnp.pad(features, ((0, NPAD - N), (0, 0)))
    sent = jnp.full((EPAD - E,), NPAD - 1, dtype=jnp.int32)
    src_r = jnp.concatenate([edge_index[0], sent]).reshape(NW, K, CH)
    dst_r = jnp.concatenate([edge_index[1], sent]).reshape(NW, K, CH)
    onesD = jnp.ones((CH, D), jnp.float32)
    zerosD = jnp.zeros((NPAD // _NS, D), jnp.float32)
    b1_2d = b1.reshape(1, D)
    b2_2d = b2.reshape(1, D)

    deg_kernel = _make_deg_kernel(NPAD, D, K, CH)
    agg_kernel = _make_agg_kernel(NPAD, D, K, CH)

    deg_h = deg_kernel(src_r, dst_r, onesD, zerosD)
    do = deg_h[0, :, 0:1]
    di = deg_h[1, :, 0:1]

    y1 = _mm_first(feat_pad, W1, do, BLK)
    z1p = agg_kernel(y1, src_r, dst_r, zerosD)
    y2 = _mm_mid(z1p[0], z1p[1], di, do, b1_2d, W2, BLK)
    z2p = agg_kernel(y2, src_r, dst_r, zerosD)
    out = _mm_last(z2p[0], z2p[1], di, b2_2d, BLK)
    return out[:N]

# --- scband reference (transcript-rebuilt; emitter-appended) ---
"""Pipeline reference for scband-dgl-gcn-33062658244614 (READ-ONLY COPY).

The authoritative reference and input builder live on the scoring server;
editing this copy changes nothing except your own understanding.
"""

import jax, jax.numpy as jnp
import numpy as np

N = 10000
E = 320000
D = 128


def setup_inputs(seed: int = 0) -> dict:
    key = jax.random.key(seed)
    k1, k2, k3, k4 = jax.random.split(key, 4)
    features = jax.random.normal(k1, (N, D), dtype=jnp.float32)
    edge_index = jax.random.randint(k2, (2, E), 0, N, dtype=jnp.int32)
    # GraphConv learned params (two layers, xavier-ish init, zero bias as in DGL)
    s = 1.0 / np.sqrt(D)
    W1 = jax.random.uniform(k3, (D, D), dtype=jnp.float32, minval=-s, maxval=s)
    b1 = jnp.zeros((D,), dtype=jnp.float32)
    W2 = jax.random.uniform(k4, (D, D), dtype=jnp.float32, minval=-s, maxval=s)
    b2 = jnp.zeros((D,), dtype=jnp.float32)
    return {"features": features, "edge_index": edge_index, "W1": W1, "b1": b1, "W2": W2, "b2": b2}


def _gcn_conv(h, W, b, src, dst, inv_sqrt_out, inv_sqrt_in):
    # DGL GraphConv with norm='both':
    # h' = D_in^{-1/2} * A * (D_out^{-1/2} * h) @ W + b, then activation outside
    h = h * inv_sqrt_out[:, None]
    msgs = jnp.take(h, src, axis=0)                     # gather over src nodes
    agg = jax.ops.segment_sum(msgs, dst, num_segments=N)  # scatter-add into dst
    agg = agg * inv_sqrt_in[:, None]
    return agg @ W + b


def reference(features, edge_index, W1, b1, W2, b2):
    src = edge_index[0]
    dst = edge_index[1]
    deg_out = jnp.clip(jnp.bincount(src, length=N), 1, None).astype(jnp.float32)
    deg_in = jnp.clip(jnp.bincount(dst, length=N), 1, None).astype(jnp.float32)
    inv_sqrt_out = deg_out ** -0.5
    inv_sqrt_in = deg_in ** -0.5
    h = features.astype(jnp.float32)
    # layer 1 (dropout p=0.0 -> identity; activation=relu)
    h = jax.nn.relu(_gcn_conv(h, W1, b1, src, dst, inv_sqrt_out, inv_sqrt_in))
    # layer 2
    h = jax.nn.relu(_gcn_conv(h, W2, b2, src, dst, inv_sqrt_out, inv_sqrt_in))
    return h

if __name__ == "__main__":
    import jax
    _d = setup_inputs()
    print(jax.jit(kernel)(*tuple(_d.values())))

</pallas_src>

<mosaic_0001>
#map = affine_map<(d0, d1) -> (0, 0, 0)>
#map1 = affine_map<(d0, d1) -> (0, 0)>
module attributes {stable_mosaic.version = 14 : i64} {
  func.func @deg_kernel(%arg0: i32, %arg1: i32, %arg2: memref<32x79x128xi32, #tpu.memory_space<hbm>>, %arg3: memref<32x79x128xi32, #tpu.memory_space<hbm>>, %arg4: memref<128x128xf32, #tpu.memory_space<hbm>>, %arg5: memref<640x128xf32, #tpu.memory_space<hbm>>, %arg6: memref<2x10240x128xf32, #tpu.memory_space<hbm>>, %arg7: memref<158x128xi32, #tpu.memory_space<vmem>>, %arg8: memref<128x128xf32, #tpu.memory_space<vmem>>, %arg9: memref<10240x128xf32, #tpu.memory_space<vmem_shared>>) attributes {dimension_semantics = [#tpu.dimension_semantics<core_parallel>, #tpu.dimension_semantics<subcore_parallel>], iteration_bounds = array<i64: 2, 16>, scalar_prefetch = 0 : i64, scratch_operands = 3 : i64, tpu.core_type = #tpu.core_type<sc_vector_subcore>, window_params = [{transform_indices = #map}, {transform_indices = #map}, {transform_indices = #map1}, {transform_indices = #map1}, {transform_indices = #map}]} {
    %mul3A = arith.constant 640 : i32
    %mul3A_0 = arith.muli %arg1, %mul3A : i32
    "tpu.region"() ({
      %run_scoped3A = tpu.sem_alloc : memref<!tpu.dma_semaphore, #tpu.memory_space<semaphore_mem>>
      %dma_start3A = arith.constant 0 : i32
      %dma_start3A_18 = tpu.memref_slice %arg9[%mul3A_0, %dma_start3A] : memref<10240x128xf32, #tpu.memory_space<vmem_shared>> -> memref<640x128xf32, #tpu.memory_space<vmem_shared>>
      tpu.enqueue_dma source(%arg5 : memref<640x128xf32, #tpu.memory_space<hbm>>) target(%dma_start3A_18 : memref<640x128xf32, #tpu.memory_space<vmem_shared>>) target_semaphore(%run_scoped3A : memref<!tpu.dma_semaphore, #tpu.memory_space<semaphore_mem>>)
      %dma_wait3A = arith.constant 0 : i32
      %dma_wait3A_19 = tpu.memref_slice %arg9[%mul3A_0, %dma_wait3A] : memref<10240x128xf32, #tpu.memory_space<vmem_shared>> -> memref<640x128xf32, #tpu.memory_space<vmem_shared>>
      tpu.wait_dma2 semaphore(%run_scoped3A : memref<!tpu.dma_semaphore, #tpu.memory_space<semaphore_mem>>) src(%arg5 : memref<640x128xf32, #tpu.memory_space<hbm>>) dst(%dma_wait3A_19 : memref<640x128xf32, #tpu.memory_space<vmem_shared>>)
      tpu.yield
    }) : () -> ()
    "tpu.region"() ({
      %run_scoped3A = tpu.sem_alloc : memref<!tpu.dma_semaphore, #tpu.memory_space<semaphore_mem>>
      tpu.enqueue_dma source(%arg4 : memref<128x128xf32, #tpu.memory_space<hbm>>) target(%arg8 : memref<128x128xf32, #tpu.memory_space<vmem>>) target_semaphore(%run_scoped3A : memref<!tpu.dma_semaphore, #tpu.memory_space<semaphore_mem>>)
      tpu.wait_dma2 semaphore(%run_scoped3A : memref<!tpu.dma_semaphore, #tpu.memory_space<semaphore_mem>>) src(%arg4 : memref<128x128xf32, #tpu.memory_space<hbm>>) dst(%arg8 : memref<128x128xf32, #tpu.memory_space<vmem>>)
      tpu.yield
    }) : () -> ()
    %eq3A = arith.constant 0 : i32
    %eq3A_1 = arith.cmpi eq, %arg0, %eq3A : i32
    %convert_element_type3A = arith.extui %eq3A_1 : i1 to i32
    %cond3A = arith.constant 0 : i32
    %cond3A_2 = arith.cmpi ne, %convert_element_type3A, %cond3A : i32
    scf.if %cond3A_2 {
      "tpu.region"() ({
        %run_scoped3A = tpu.sem_alloc : memref<!tpu.dma_semaphore, #tpu.memory_space<semaphore_mem>>
        %dma_start3A = arith.constant 0 : i32
        %dma_start3A_19 = arith.constant 0 : i32
        %dma_start3A_20 = tpu.memref_slice %arg7[%dma_start3A, %dma_start3A_19] : memref<158x128xi32, #tpu.memory_space<vmem>> -> memref<79x128xi32, #tpu.memory_space<vmem>>
        %dma_start3A_21 = arith.constant 0 : i32
        %dma_start3A_22 = arith.constant 0 : i32
        %dma_start3A_23 = tpu.memref_slice %arg2[%arg1, %dma_start3A_21, %dma_start3A_22] : memref<32x79x128xi32, #tpu.memory_space<hbm>> -> memref<1x79x128xi32, #tpu.memory_space<hbm>>
        %dma_start3A_24 = tpu.memref_squeeze %dma_start3A_23 : memref<1x79x128xi32, #tpu.memory_space<hbm>> -> memref<79x128xi32, #tpu.memory_space<hbm>>
        %dma_start3A_25 = arith.constant 0 : i32
        %dma_start3A_26 = arith.constant 0 : i32
        %dma_start3A_27 = tpu.memref_slice %arg7[%dma_start3A_25, %dma_start3A_26] : memref<158x128xi32, #tpu.memory_space<vmem>> -> memref<79x128xi32, #tpu.memory_space<vmem>>
        %dma_start3A_28 = arith.constant 0 : i32
        %dma_start3A_29 = arith.constant 0 : i32
        %dma_start3A_30 = tpu.memref_slice %arg2[%arg1, %dma_start3A_28, %dma_start3A_29] : memref<32x79x128xi32, #tpu.memory_space<hbm>> -> memref<1x79x128xi32, #tpu.memory_space<hbm>>
        %dma_start3A_31 = tpu.memref_squeeze %dma_start3A_30 : memref<1x79x128xi32, #tpu.memory_space<hbm>> -> memref<79x128xi32, #tpu.memory_space<hbm>>
        tpu.enqueue_dma source(%dma_start3A_31 : memref<79x128xi32, #tpu.memory_space<hbm>>) target(%dma_start3A_27 : memref<79x128xi32, #tpu.memory_space<vmem>>) target_semaphore(%run_scoped3A : memref<!tpu.dma_semaphore, #tpu.memory_space<semaphore_mem>>)
        %dma_wait3A = arith.constant 0 : i32
        %dma_wait3A_32 = arith.constant 0 : i32
        %dma_wait3A_33 = tpu.memref_slice %arg7[%dma_wait3A, %dma_wait3A_32] : memref<158x128xi32, #tpu.memory_space<vmem>> -> memref<79x128xi32, #tpu.memory_space<vmem>>
        %dma_wait3A_34 = arith.constant 0 : i32
        %dma_wait3A_35 = arith.constant 0 : i32
        %dma_wait3A_36 = tpu.memref_slice %arg2[%arg1, %dma_wait3A_34, %dma_wait3A_35] : memref<32x79x128xi32, #tpu.memory_space<hbm>> -> memref<1x79x128xi32, #tpu.memory_space<hbm>>
        %dma_wait3A_37 = tpu.memref_squeeze %dma_wait3A_36 : memref<1x79x128xi32, #tpu.memory_space<hbm>> -> memref<79x128xi32, #tpu.memory_space<hbm>>
        %dma_wait3A_38 = arith.constant 0 : i32
        %dma_wait3A_39 = arith.constant 0 : i32
        %dma_wait3A_40 = tpu.memref_slice %arg7[%dma_wait3A_38, %dma_wait3A_39] : memref<158x128xi32, #tpu.memory_space<vmem>> -> memref<79x128xi32, #tpu.memory_space<vmem>>
        %dma_wait3A_41 = arith.constant 0 : i32
        %dma_wait3A_42 = arith.constant 0 : i32
        %dma_wait3A_43 = tpu.memref_slice %arg2[%arg1, %dma_wait3A_41, %dma_wait3A_42] : memref<32x79x128xi32, #tpu.memory_space<hbm>> -> memref<1x79x128xi32, #tpu.memory_space<hbm>>
        %dma_wait3A_44 = tpu.memref_squeeze %dma_wait3A_43 : memref<1x79x128xi32, #tpu.memory_space<hbm>> -> memref<79x128xi32, #tpu.memory_space<hbm>>
        tpu.wait_dma2 semaphore(%run_scoped3A : memref<!tpu.dma_semaphore, #tpu.memory_space<semaphore_mem>>) src(%dma_wait3A_44 : memref<79x128xi32, #tpu.memory_space<hbm>>) dst(%dma_wait3A_40 : memref<79x128xi32, #tpu.memory_space<vmem>>)
        tpu.yield
      }) : () -> ()
      %add3A = arith.constant 16 : i32
      %add3A_18 = arith.addi %arg1, %add3A : i32
      "tpu.region"() ({
        %run_scoped3A = tpu.sem_alloc : memref<!tpu.dma_semaphore, #tpu.memory_space<semaphore_mem>>
        %dma_start3A = arith.constant 79 : i32
        %dma_start3A_19 = arith.constant 0 : i32
        %dma_start3A_20 = tpu.memref_slice %arg7[%dma_start3A, %dma_start3A_19] : memref<158x128xi32, #tpu.memory_space<vmem>> -> memref<79x128xi32, #tpu.memory_space<vmem>>
        %dma_start3A_21 = arith.constant 0 : i32
        %dma_start3A_22 = arith.constant 0 : i32
        %dma_start3A_23 = tpu.memref_slice %arg2[%add3A_18, %dma_start3A_21, %dma_start3A_22] : memref<32x79x128xi32, #tpu.memory_space<hbm>> -> memref<1x79x128xi32, #tpu.memory_space<hbm>>
        %dma_start3A_24 = tpu.memref_squeeze %dma_start3A_23 : memref<1x79x128xi32, #tpu.memory_space<hbm>> -> memref<79x128xi32, #tpu.memory_space<hbm>>
        %dma_start3A_25 = arith.constant 79 : i32
        %dma_start3A_26 = arith.constant 0 : i32
        %dma_start3A_27 = tpu.memref_slice %arg7[%dma_start3A_25, %dma_start3A_26] : memref<158x128xi32, #tpu.memory_space<vmem>> -> memref<79x128xi32, #tpu.memory_space<vmem>>
        %dma_start3A_28 = arith.constant 0 : i32
        %dma_start3A_29 = arith.constant 0 : i32
        %dma_start3A_30 = tpu.memref_slice %arg2[%add3A_18, %dma_start3A_28, %dma_start3A_29] : memref<32x79x128xi32, #tpu.memory_space<hbm>> -> memref<1x79x128xi32, #tpu.memory_space<hbm>>
        %dma_start3A_31 = tpu.memref_squeeze %dma_start3A_30 : memref<1x79x128xi32, #tpu.memory_space<hbm>> -> memref<79x128xi32, #tpu.memory_space<hbm>>
        tpu.enqueue_dma source(%dma_start3A_31 : memref<79x128xi32, #tpu.memory_space<hbm>>) target(%dma_start3A_27 : memref<79x128xi32, #tpu.memory_space<vmem>>) target_semaphore(%run_scoped3A : memref<!tpu.dma_semaphore, #tpu.memory_space<semaphore_mem>>)
        %dma_wait3A = arith.constant 79 : i32
        %dma_wait3A_32 = arith.constant 0 : i32
        %dma_wait3A_33 = tpu.memref_slice %arg7[%dma_wait3A, %dma_wait3A_32] : memref<158x128xi32, #tpu.memory_space<vmem>> -> memref<79x128xi32, #tpu.memory_space<vmem>>
        %dma_wait3A_34 = arith.constant 0 : i32
        %dma_wait3A_35 = arith.constant 0 : i32
        %dma_wait3A_36 = tpu.memref_slice %arg2[%add3A_18, %dma_wait3A_34, %dma_wait3A_35] : memref<32x79x128xi32, #tpu.memory_space<hbm>> -> memref<1x79x128xi32, #tpu.memory_space<hbm>>
        %dma_wait3A_37 = tpu.memref_squeeze %dma_wait3A_36 : memref<1x79x128xi32, #tpu.memory_space<hbm>> -> memref<79x128xi32, #tpu.memory_space<hbm>>
        %dma_wait3A_38 = arith.constant 79 : i32
        %dma_wait3A_39 = arith.constant 0 : i32
        %dma_wait3A_40 = tpu.memref_slice %arg7[%dma_wait3A_38, %dma_wait3A_39] : memref<158x128xi32, #tpu.memory_space<vmem>> -> memref<79x128xi32, #tpu.memory_space<vmem>>
        %dma_wait3A_41 = arith.constant 0 : i32
        %dma_wait3A_42 = arith.constant 0 : i32
        %dma_wait3A_43 = tpu.memref_slice %arg2[%add3A_18, %dma_wait3A_41, %dma_wait3A_42] : memref<32x79x128xi32, #tpu.memory_space<hbm>> -> memref<1x79x128xi32, #tpu.memory_space<hbm>>
        %dma_wait3A_44 = tpu.memref_squeeze %dma_wait3A_43 : memref<1x79x128xi32, #tpu.memory_space<hbm>> -> memref<79x128xi32, #tpu.memory_space<hbm>>
        tpu.wait_dma2 semaphore(%run_scoped3A : memref<!tpu.dma_semaphore, #tpu.memory_space<semaphore_mem>>) src(%dma_wait3A_44 : memref<79x128xi32, #tpu.memory_space<hbm>>) dst(%dma_wait3A_40 : memref<79x128xi32, #tpu.memory_space<vmem>>)
        tpu.yield
      }) : () -> ()
    } else {
    }
    %eq3A_3 = arith.constant 1 : i32
    %eq3A_4 = arith.cmpi eq, %arg0, %eq3A_3 : i32
    %convert_element_type3A_5 = arith.extui %eq3A_4 : i1 to i32
    %cond3A_6 = arith.constant 0 : i32
    %cond3A_7 = arith.cmpi ne, %convert_element_type3A_5, %cond3A_6 : i32
    scf.if %cond3A_7 {
      "tpu.region"() ({
        %run_scoped3A = tpu.sem_alloc : memref<!tpu.dma_semaphore, #tpu.memory_space<semaphore_mem>>
        %dma_start3A = arith.constant 0 : i32
        %dma_start3A_19 = arith.constant 0 : i32
        %dma_start3A_20 = tpu.memref_slice %arg7[%dma_start3A, %dma_start3A_19] : memref<158x128xi32, #tpu.memory_space<vmem>> -> memref<79x128xi32, #tpu.memory_space<vmem>>
        %dma_start3A_21 = arith.constant 0 : i32
        %dma_start3A_22 = arith.constant 0 : i32
        %dma_start3A_23 = tpu.memref_slice %arg3[%arg1, %dma_start3A_21, %dma_start3A_22] : memref<32x79x128xi32, #tpu.memory_space<hbm>> -> memref<1x79x128xi32, #tpu.memory_space<hbm>>
        %dma_start3A_24 = tpu.memref_squeeze %dma_start3A_23 : memref<1x79x128xi32, #tpu.memory_space<hbm>> -> memref<79x128xi32, #tpu.memory_space<hbm>>
        %dma_start3A_25 = arith.constant 0 : i32
        %dma_start3A_26 = arith.constant 0 : i32
        %dma_start3A_27 = tpu.memref_slice %arg7[%dma_start3A_25, %dma_start3A_26] : memref<158x128xi32, #tpu.memory_space<vmem>> -> memref<79x128xi32, #tpu.memory_space<vmem>>
        %dma_start3A_28 = arith.constant 0 : i32
        %dma_start3A_29 = arith.constant 0 : i32
        %dma_start3A_30 = tpu.memref_slice %arg3[%arg1, %dma_start3A_28, %dma_start3A_29] : memref<32x79x128xi32, #tpu.memory_space<hbm>> -> memref<1x79x128xi32, #tpu.memory_space<hbm>>
        %dma_start3A_31 = tpu.memref_squeeze %dma_start3A_30 : memref<1x79x128xi32, #tpu.memory_space<hbm>> -> memref<79x128xi32, #tpu.memory_space<hbm>>
        tpu.enqueue_dma source(%dma_start3A_31 : memref<79x128xi32, #tpu.memory_space<hbm>>) target(%dma_start3A_27 : memref<79x128xi32, #tpu.memory_space<vmem>>) target_semaphore(%run_scoped3A : memref<!tpu.dma_semaphore, #tpu.memory_space<semaphore_mem>>)
        %dma_wait3A = arith.constant 0 : i32
        %dma_wait3A_32 = arith.constant 0 : i32
        %dma_wait3A_33 = tpu.memref_slice %arg7[%dma_wait3A, %dma_wait3A_32] : memref<158x128xi32, #tpu.memory_space<vmem>> -> memref<79x128xi32, #tpu.memory_space<vmem>>
        %dma_wait3A_34 = arith.constant 0 : i32
        %dma_wait3A_35 = arith.constant 0 : i32
        %dma_wait3A_36 = tpu.memref_slice %arg3[%arg1, %dma_wait3A_34, %dma_wait3A_35] : memref<32x79x128xi32, #tpu.memory_space<hbm>> -> memref<1x79x128xi32, #tpu.memory_space<hbm>>
        %dma_wait3A_37 = tpu.memref_squeeze %dma_wait3A_36 : memref<1x79x128xi32, #tpu.memory_space<hbm>> -> memref<79x128xi32, #tpu.memory_space<hbm>>
        %dma_wait3A_38 = arith.constant 0 : i32
        %dma_wait3A_39 = arith.constant 0 : i32
        %dma_wait3A_40 = tpu.memref_slice %arg7[%dma_wait3A_38, %dma_wait3A_39] : memref<158x128xi32, #tpu.memory_space<vmem>> -> memref<79x128xi32, #tpu.memory_space<vmem>>
        %dma_wait3A_41 = arith.constant 0 : i32
        %dma_wait3A_42 = arith.constant 0 : i32
        %dma_wait3A_43 = tpu.memref_slice %arg3[%arg1, %dma_wait3A_41, %dma_wait3A_42] : memref<32x79x128xi32, #tpu.memory_space<hbm>> -> memref<1x79x128xi32, #tpu.memory_space<hbm>>
        %dma_wait3A_44 = tpu.memref_squeeze %dma_wait3A_43 : memref<1x79x128xi32, #tpu.memory_space<hbm>> -> memref<79x128xi32, #tpu.memory_space<hbm>>
        tpu.wait_dma2 semaphore(%run_scoped3A : memref<!tpu.dma_semaphore, #tpu.memory_space<semaphore_mem>>) src(%dma_wait3A_44 : memref<79x128xi32, #tpu.memory_space<hbm>>) dst(%dma_wait3A_40 : memref<79x128xi32, #tpu.memory_space<vmem>>)
        tpu.yield
      }) : () -> ()
      %add3A = arith.constant 16 : i32
      %add3A_18 = arith.addi %arg1, %add3A : i32
      "tpu.region"() ({
        %run_scoped3A = tpu.sem_alloc : memref<!tpu.dma_semaphore, #tpu.memory_space<semaphore_mem>>
        %dma_start3A = arith.constant 79 : i32
        %dma_start3A_19 = arith.constant 0 : i32
        %dma_start3A_20 = tpu.memref_slice %arg7[%dma_start3A, %dma_start3A_19] : memref<158x128xi32, #tpu.memory_space<vmem>> -> memref<79x128xi32, #tpu.memory_space<vmem>>
        %dma_start3A_21 = arith.constant 0 : i32
        %dma_start3A_22 = arith.constant 0 : i32
        %dma_start3A_23 = tpu.memref_slice %arg3[%add3A_18, %dma_start3A_21, %dma_start3A_22] : memref<32x79x128xi32, #tpu.memory_space<hbm>> -> memref<1x79x128xi32, #tpu.memory_space<hbm>>
        %dma_start3A_24 = tpu.memref_squeeze %dma_start3A_23 : memref<1x79x128xi32, #tpu.memory_space<hbm>> -> memref<79x128xi32, #tpu.memory_space<hbm>>
        %dma_start3A_25 = arith.constant 79 : i32
        %dma_start3A_26 = arith.constant 0 : i32
        %dma_start3A_27 = tpu.memref_slice %arg7[%dma_start3A_25, %dma_start3A_26] : memref<158x128xi32, #tpu.memory_space<vmem>> -> memref<79x128xi32, #tpu.memory_space<vmem>>
        %dma_start3A_28 = arith.constant 0 : i32
        %dma_start3A_29 = arith.constant 0 : i32
        %dma_start3A_30 = tpu.memref_slice %arg3[%add3A_18, %dma_start3A_28, %dma_start3A_29] : memref<32x79x128xi32, #tpu.memory_space<hbm>> -> memref<1x79x128xi32, #tpu.memory_space<hbm>>
        %dma_start3A_31 = tpu.memref_squeeze %dma_start3A_30 : memref<1x79x128xi32, #tpu.memory_space<hbm>> -> memref<79x128xi32, #tpu.memory_space<hbm>>
        tpu.enqueue_dma source(%dma_start3A_31 : memref<79x128xi32, #tpu.memory_space<hbm>>) target(%dma_start3A_27 : memref<79x128xi32, #tpu.memory_space<vmem>>) target_semaphore(%run_scoped3A : memref<!tpu.dma_semaphore, #tpu.memory_space<semaphore_mem>>)
        %dma_wait3A = arith.constant 79 : i32
        %dma_wait3A_32 = arith.constant 0 : i32
        %dma_wait3A_33 = tpu.memref_slice %arg7[%dma_wait3A, %dma_wait3A_32] : memref<158x128xi32, #tpu.memory_space<vmem>> -> memref<79x128xi32, #tpu.memory_space<vmem>>
        %dma_wait3A_34 = arith.constant 0 : i32
        %dma_wait3A_35 = arith.constant 0 : i32
        %dma_wait3A_36 = tpu.memref_slice %arg3[%add3A_18, %dma_wait3A_34, %dma_wait3A_35] : memref<32x79x128xi32, #tpu.memory_space<hbm>> -> memref<1x79x128xi32, #tpu.memory_space<hbm>>
        %dma_wait3A_37 = tpu.memref_squeeze %dma_wait3A_36 : memref<1x79x128xi32, #tpu.memory_space<hbm>> -> memref<79x128xi32, #tpu.memory_space<hbm>>
        %dma_wait3A_38 = arith.constant 79 : i32
        %dma_wait3A_39 = arith.constant 0 : i32
        %dma_wait3A_40 = tpu.memref_slice %arg7[%dma_wait3A_38, %dma_wait3A_39] : memref<158x128xi32, #tpu.memory_space<vmem>> -> memref<79x128xi32, #tpu.memory_space<vmem>>
        %dma_wait3A_41 = arith.constant 0 : i32
        %dma_wait3A_42 = arith.constant 0 : i32
        %dma_wait3A_43 = tpu.memref_slice %arg3[%add3A_18, %dma_wait3A_41, %dma_wait3A_42] : memref<32x79x128xi32, #tpu.memory_space<hbm>> -> memref<1x79x128xi32, #tpu.memory_space<hbm>>
        %dma_wait3A_44 = tpu.memref_squeeze %dma_wait3A_43 : memref<1x79x128xi32, #tpu.memory_space<hbm>> -> memref<79x128xi32, #tpu.memory_space<hbm>>
        tpu.wait_dma2 semaphore(%run_scoped3A : memref<!tpu.dma_semaphore, #tpu.memory_space<semaphore_mem>>) src(%dma_wait3A_44 : memref<79x128xi32, #tpu.memory_space<hbm>>) dst(%dma_wait3A_40 : memref<79x128xi32, #tpu.memory_space<vmem>>)
        tpu.yield
      }) : () -> ()
    } else {
    }
    %barrier3A = arith.constant 0 : index
    tpu.barrier barrier_id(%barrier3A)
    %scan3A = arith.constant 0 : i32
    %scan3A_8 = arith.constant 0 : i32
    %scan3A_9 = arith.constant 158 : i32
    %scan3A_10 = arith.addi %scan3A_8, %scan3A_9 : i32
    %scan3A_11 = arith.constant 1 : i32
    scf.for %scan3A_18 = %scan3A_8 to %scan3A_10 step %scan3A_11  : i32 {
      "tpu.region"() ({
        %run_scoped3A = tpu.sem_alloc : memref<!tpu.dma_semaphore, #tpu.memory_space<semaphore_mem>>
        %dma_start3A = arith.constant 0 : i32
        %dma_start3A_19 = tpu.memref_slice %arg7[%scan3A_18, %dma_start3A] : memref<158x128xi32, #tpu.memory_space<vmem>> -> memref<1x128xi32, #tpu.memory_space<vmem>>
        %dma_start3A_20 = tpu.memref_squeeze %dma_start3A_19 : memref<1x128xi32, #tpu.memory_space<vmem>> -> memref<128xi32, #tpu.memory_space<vmem>>
        %dma_start3A_21 = arith.constant 0 : i32
        %dma_start3A_22 = arith.constant 0 : i32
        %dma_start3A_23 = tpu.memref_slice %arg9[%dma_start3A_21, %dma_start3A_22] : memref<10240x128xf32, #tpu.memory_space<vmem_shared>> -> memref<10240x128xf32, #tpu.memory_space<vmem_shared>>
        tpu.enqueue_indirect_dma source(%arg8 : memref<128x128xf32, #tpu.memory_space<vmem>>) target(%dma_start3A_23 : memref<10240x128xf32, #tpu.memory_space<vmem_shared>>) offsets(%dma_start3A_20 : memref<128xi32, #tpu.memory_space<vmem>>) semaphore(%run_scoped3A : memref<!tpu.dma_semaphore, #tpu.memory_space<semaphore_mem>>) {add = true}
        %dma_wait3A = arith.constant 0 : i32
        %dma_wait3A_24 = tpu.memref_slice %arg7[%scan3A_18, %dma_wait3A] : memref<158x128xi32, #tpu.memory_space<vmem>> -> memref<1x128xi32, #tpu.memory_space<vmem>>
        %dma_wait3A_25 = tpu.memref_squeeze %dma_wait3A_24 : memref<1x128xi32, #tpu.memory_space<vmem>> -> memref<128xi32, #tpu.memory_space<vmem>>
        %dma_wait3A_26 = arith.constant 0 : i32
        %dma_wait3A_27 = arith.constant 0 : i32
        %dma_wait3A_28 = tpu.memref_slice %arg9[%dma_wait3A_26, %dma_wait3A_27] : memref<10240x128xf32, #tpu.memory_space<vmem_shared>> -> memref<10240x128xf32, #tpu.memory_space<vmem_shared>>
        tpu.wait_indirect_dma semaphore(%run_scoped3A : memref<!tpu.dma_semaphore, #tpu.memory_space<semaphore_mem>>) src(%arg8 : memref<128x128xf32, #tpu.memory_space<vmem>>) dst(%dma_wait3A_28 : memref<10240x128xf32, #tpu.memory_space<vmem_shared>>)
        tpu.yield
      }) : () -> ()
    }
    %scan3A_12 = arith.constant 158 : i32
    %barrier3A_13 = arith.constant 0 : index
    tpu.barrier barrier_id(%barrier3A_13)
    %mul3A_14 = arith.constant 640 : i32
    %mul3A_15 = arith.muli %arg1, %mul3A_14 : i32
    %mul3A_16 = arith.constant 640 : i32
    %mul3A_17 = arith.muli %arg1, %mul3A_16 : i32
    "tpu.region"() ({
      %run_scoped3A = tpu.sem_alloc : memref<!tpu.dma_semaphore, #tpu.memory_space<semaphore_mem>>
      %dma_start3A = arith.constant 0 : i32
      %dma_start3A_18 = tpu.memref_slice %arg6[%arg0, %mul3A_17, %dma_start3A] : memref<2x10240x128xf32, #tpu.memory_space<hbm>> -> memref<1x640x128xf32, #tpu.memory_space<hbm>>
      %dma_start3A_19 = tpu.memref_squeeze %dma_start3A_18 : memref<1x640x128xf32, #tpu.memory_space<hbm>> -> memref<640x128xf32, #tpu.memory_space<hbm>>
      %dma_start3A_20 = arith.constant 0 : i32
      %dma_start3A_21 = tpu.memref_slice %arg9[%mul3A_15, %dma_start3A_20] : memref<10240x128xf32, #tpu.memory_space<vmem_shared>> -> memref<640x128xf32, #tpu.memory_space<vmem_shared>>
      tpu.enqueue_dma source(%dma_start3A_21 : memref<640x128xf32, #tpu.memory_space<vmem_shared>>) target(%dma_start3A_19 : memref<640x128xf32, #tpu.memory_space<hbm>>) target_semaphore(%run_scoped3A : memref<!tpu.dma_semaphore, #tpu.memory_space<semaphore_mem>>)
      %dma_wait3A = arith.constant 0 : i32
      %dma_wait3A_22 = tpu.memref_slice %arg6[%arg0, %mul3A_17, %dma_wait3A] : memref<2x10240x128xf32, #tpu.memory_space<hbm>> -> memref<1x640x128xf32, #tpu.memory_space<hbm>>
      %dma_wait3A_23 = tpu.memref_squeeze %dma_wait3A_22 : memref<1x640x128xf32, #tpu.memory_space<hbm>> -> memref<640x128xf32, #tpu.memory_space<hbm>>
      %dma_wait3A_24 = arith.constant 0 : i32
      %dma_wait3A_25 = tpu.memref_slice %arg9[%mul3A_15, %dma_wait3A_24] : memref<10240x128xf32, #tpu.memory_space<vmem_shared>> -> memref<640x128xf32, #tpu.memory_space<vmem_shared>>
      tpu.wait_dma2 semaphore(%run_scoped3A : memref<!tpu.dma_semaphore, #tpu.memory_space<semaphore_mem>>) src(%dma_wait3A_25 : memref<640x128xf32, #tpu.memory_space<vmem_shared>>) dst(%dma_wait3A_23 : memref<640x128xf32, #tpu.memory_space<hbm>>)
      tpu.yield
    }) : () -> ()
    return
  }
}

#map = affine_map<(d0, d1) -> (0, 0)>
#map1 = affine_map<(d0, d1) -> (0, 0, 0)>
module attributes {stable_mosaic.version = 14 : i64} {
  func.func @agg_kernel(%arg0: i32, %arg1: i32, %arg2: memref<10240x128xf32, #tpu.memory_space<hbm>>, %arg3: memref<32x79x128xi32, #tpu.memory_space<hbm>>, %arg4: memref<32x79x128xi32, #tpu.memory_space<hbm>>, %arg5: memref<640x128xf32, #tpu.memory_space<hbm>>, %arg6: memref<2x10240x128xf32, #tpu.memory_space<hbm>>, %arg7: memref<79x128xi32, #tpu.memory_space<vmem>>, %arg8: memref<79x128xi32, #tpu.memory_space<vmem>>, %arg9: memref<128x128xf32, #tpu.memory_space<vmem>>, %arg10: memref<10240x128xf32, #tpu.memory_space<vmem_shared>>, %arg11: memref<!tpu.dma_semaphore, #tpu.memory_space<semaphore_mem>>) attributes {dimension_semantics = [#tpu.dimension_semantics<core_parallel>, #tpu.dimension_semantics<subcore_parallel>], iteration_bounds = array<i64: 2, 16>, scalar_prefetch = 0 : i64, scratch_operands = 5 : i64, tpu.core_type = #tpu.core_type<sc_vector_subcore>, window_params = [{transform_indices = #map}, {transform_indices = #map1}, {transform_indices = #map1}, {transform_indices = #map}, {transform_indices = #map1}]} {
    %mul3A = arith.constant 2 : i32
    %mul3A_0 = arith.muli %arg1, %mul3A : i32
    %add3A = arith.addi %mul3A_0, %arg0 : i32
    %mul3A_1 = arith.constant 640 : i32
    %mul3A_2 = arith.muli %arg1, %mul3A_1 : i32
    "tpu.region"() ({
      %run_scoped3A = tpu.sem_alloc : memref<!tpu.dma_semaphore, #tpu.memory_space<semaphore_mem>>
      %dma_start3A = arith.constant 0 : i32
      %dma_start3A_13 = tpu.memref_slice %arg10[%mul3A_2, %dma_start3A] : memref<10240x128xf32, #tpu.memory_space<vmem_shared>> -> memref<640x128xf32, #tpu.memory_space<vmem_shared>>
      tpu.enqueue_dma source(%arg5 : memref<640x128xf32, #tpu.memory_space<hbm>>) target(%dma_start3A_13 : memref<640x128xf32, #tpu.memory_space<vmem_shared>>) target_semaphore(%run_scoped3A : memref<!tpu.dma_semaphore, #tpu.memory_space<semaphore_mem>>)
      %dma_wait3A = arith.constant 0 : i32
      %dma_wait3A_14 = tpu.memref_slice %arg10[%mul3A_2, %dma_wait3A] : memref<10240x128xf32, #tpu.memory_space<vmem_shared>> -> memref<640x128xf32, #tpu.memory_space<vmem_shared>>
      tpu.wait_dma2 semaphore(%run_scoped3A : memref<!tpu.dma_semaphore, #tpu.memory_space<semaphore_mem>>) src(%arg5 : memref<640x128xf32, #tpu.memory_space<hbm>>) dst(%dma_wait3A_14 : memref<640x128xf32, #tpu.memory_space<vmem_shared>>)
      tpu.yield
    }) : () -> ()
    "tpu.region"() ({
      %run_scoped3A = tpu.sem_alloc : memref<!tpu.dma_semaphore, #tpu.memory_space<semaphore_mem>>
      %dma_start3A = arith.constant 0 : i32
      %dma_start3A_13 = arith.constant 0 : i32
      %dma_start3A_14 = tpu.memref_slice %arg3[%add3A, %dma_start3A, %dma_start3A_13] : memref<32x79x128xi32, #tpu.memory_space<hbm>> -> memref<1x79x128xi32, #tpu.memory_space<hbm>>
      %dma_start3A_15 = tpu.memref_squeeze %dma_start3A_14 : memref<1x79x128xi32, #tpu.memory_space<hbm>> -> memref<79x128xi32, #tpu.memory_space<hbm>>
      %dma_start3A_16 = arith.constant 0 : i32
      %dma_start3A_17 = arith.constant 0 : i32
      %dma_start3A_18 = tpu.memref_slice %arg3[%add3A, %dma_start3A_16, %dma_start3A_17] : memref<32x79x128xi32, #tpu.memory_space<hbm>> -> memref<1x79x128xi32, #tpu.memory_space<hbm>>
      %dma_start3A_19 = tpu.memref_squeeze %dma_start3A_18 : memref<1x79x128xi32, #tpu.memory_space<hbm>> -> memref<79x128xi32, #tpu.memory_space<hbm>>
      tpu.enqueue_dma source(%dma_start3A_19 : memref<79x128xi32, #tpu.memory_space<hbm>>) target(%arg7 : memref<79x128xi32, #tpu.memory_space<vmem>>) target_semaphore(%run_scoped3A : memref<!tpu.dma_semaphore, #tpu.memory_space<semaphore_mem>>)
      %dma_wait3A = arith.constant 0 : i32
      %dma_wait3A_20 = arith.constant 0 : i32
      %dma_wait3A_21 = tpu.memref_slice %arg3[%add3A, %dma_wait3A, %dma_wait3A_20] : memref<32x79x128xi32, #tpu.memory_space<hbm>> -> memref<1x79x128xi32, #tpu.memory_space<hbm>>
      %dma_wait3A_22 = tpu.memref_squeeze %dma_wait3A_21 : memref<1x79x128xi32, #tpu.memory_space<hbm>> -> memref<79x128xi32, #tpu.memory_space<hbm>>
      %dma_wait3A_23 = arith.constant 0 : i32
      %dma_wait3A_24 = arith.constant 0 : i32
      %dma_wait3A_25 = tpu.memref_slice %arg3[%add3A, %dma_wait3A_23, %dma_wait3A_24] : memref<32x79x128xi32, #tpu.memory_space<hbm>> -> memref<1x79x128xi32, #tpu.memory_space<hbm>>
      %dma_wait3A_26 = tpu.memref_squeeze %dma_wait3A_25 : memref<1x79x128xi32, #tpu.memory_space<hbm>> -> memref<79x128xi32, #tpu.memory_space<hbm>>
      tpu.wait_dma2 semaphore(%run_scoped3A : memref<!tpu.dma_semaphore, #tpu.memory_space<semaphore_mem>>) src(%dma_wait3A_26 : memref<79x128xi32, #tpu.memory_space<hbm>>) dst(%arg7 : memref<79x128xi32, #tpu.memory_space<vmem>>)
      tpu.yield
    }) : () -> ()
    "tpu.region"() ({
      %run_scoped3A = tpu.sem_alloc : memref<!tpu.dma_semaphore, #tpu.memory_space<semaphore_mem>>
      %dma_start3A = arith.constant 0 : i32
      %dma_start3A_13 = arith.constant 0 : i32
      %dma_start3A_14 = tpu.memref_slice %arg4[%add3A, %dma_start3A, %dma_start3A_13] : memref<32x79x128xi32, #tpu.memory_space<hbm>> -> memref<1x79x128xi32, #tpu.memory_space<hbm>>
      %dma_start3A_15 = tpu.memref_squeeze %dma_start3A_14 : memref<1x79x128xi32, #tpu.memory_space<hbm>> -> memref<79x128xi32, #tpu.memory_space<hbm>>
      %dma_start3A_16 = arith.constant 0 : i32
      %dma_start3A_17 = arith.constant 0 : i32
      %dma_start3A_18 = tpu.memref_slice %arg4[%add3A, %dma_start3A_16, %dma_start3A_17] : memref<32x79x128xi32, #tpu.memory_space<hbm>> -> memref<1x79x128xi32, #tpu.memory_space<hbm>>
      %dma_start3A_19 = tpu.memref_squeeze %dma_start3A_18 : memref<1x79x128xi32, #tpu.memory_space<hbm>> -> memref<79x128xi32, #tpu.memory_space<hbm>>
      tpu.enqueue_dma source(%dma_start3A_19 : memref<79x128xi32, #tpu.memory_space<hbm>>) target(%arg8 : memref<79x128xi32, #tpu.memory_space<vmem>>) target_semaphore(%run_scoped3A : memref<!tpu.dma_semaphore, #tpu.memory_space<semaphore_mem>>)
      %dma_wait3A = arith.constant 0 : i32
      %dma_wait3A_20 = arith.constant 0 : i32
      %dma_wait3A_21 = tpu.memref_slice %arg4[%add3A, %dma_wait3A, %dma_wait3A_20] : memref<32x79x128xi32, #tpu.memory_space<hbm>> -> memref<1x79x128xi32, #tpu.memory_space<hbm>>
      %dma_wait3A_22 = tpu.memref_squeeze %dma_wait3A_21 : memref<1x79x128xi32, #tpu.memory_space<hbm>> -> memref<79x128xi32, #tpu.memory_space<hbm>>
      %dma_wait3A_23 = arith.constant 0 : i32
      %dma_wait3A_24 = arith.constant 0 : i32
      %dma_wait3A_25 = tpu.memref_slice %arg4[%add3A, %dma_wait3A_23, %dma_wait3A_24] : memref<32x79x128xi32, #tpu.memory_space<hbm>> -> memref<1x79x128xi32, #tpu.memory_space<hbm>>
      %dma_wait3A_26 = tpu.memref_squeeze %dma_wait3A_25 : memref<1x79x128xi32, #tpu.memory_space<hbm>> -> memref<79x128xi32, #tpu.memory_space<hbm>>
      tpu.wait_dma2 semaphore(%run_scoped3A : memref<!tpu.dma_semaphore, #tpu.memory_space<semaphore_mem>>) src(%dma_wait3A_26 : memref<79x128xi32, #tpu.memory_space<hbm>>) dst(%arg8 : memref<79x128xi32, #tpu.memory_space<vmem>>)
      tpu.yield
    }) : () -> ()
    %barrier3A = arith.constant 0 : index
    tpu.barrier barrier_id(%barrier3A)
    %scan3A = arith.constant 0 : i32
    %scan3A_3 = arith.constant 0 : i32
    %scan3A_4 = arith.constant 79 : i32
    %scan3A_5 = arith.addi %scan3A_3, %scan3A_4 : i32
    %scan3A_6 = arith.constant 1 : i32
    scf.for %scan3A_13 = %scan3A_3 to %scan3A_5 step %scan3A_6  : i32 {
      %dma_start3A = arith.constant 0 : i32
      %dma_start3A_14 = tpu.memref_slice %arg7[%scan3A_13, %dma_start3A] : memref<79x128xi32, #tpu.memory_space<vmem>> -> memref<1x128xi32, #tpu.memory_space<vmem>>
      %dma_start3A_15 = tpu.memref_squeeze %dma_start3A_14 : memref<1x128xi32, #tpu.memory_space<vmem>> -> memref<128xi32, #tpu.memory_space<vmem>>
      %dma_start3A_16 = arith.constant 0 : i32
      %dma_start3A_17 = arith.constant 0 : i32
      %dma_start3A_18 = tpu.memref_slice %arg2[%dma_start3A_16, %dma_start3A_17] : memref<10240x128xf32, #tpu.memory_space<hbm>> -> memref<10240x128xf32, #tpu.memory_space<hbm>>
      tpu.enqueue_indirect_dma source(%dma_start3A_18 : memref<10240x128xf32, #tpu.memory_space<hbm>>) target(%arg9 : memref<128x128xf32, #tpu.memory_space<vmem>>) offsets(%dma_start3A_15 : memref<128xi32, #tpu.memory_space<vmem>>) semaphore(%arg11 : memref<!tpu.dma_semaphore, #tpu.memory_space<semaphore_mem>>)
      %dma_wait3A = arith.constant 0 : i32
      %dma_wait3A_19 = tpu.memref_slice %arg7[%scan3A_13, %dma_wait3A] : memref<79x128xi32, #tpu.memory_space<vmem>> -> memref<1x128xi32, #tpu.memory_space<vmem>>
      %dma_wait3A_20 = tpu.memref_squeeze %dma_wait3A_19 : memref<1x128xi32, #tpu.memory_space<vmem>> -> memref<128xi32, #tpu.memory_space<vmem>>
      %dma_wait3A_21 = arith.constant 0 : i32
      %dma_wait3A_22 = arith.constant 0 : i32
      %dma_wait3A_23 = tpu.memref_slice %arg2[%dma_wait3A_21, %dma_wait3A_22] : memref<10240x128xf32, #tpu.memory_space<hbm>> -> memref<10240x128xf32, #tpu.memory_space<hbm>>
      tpu.wait_indirect_dma semaphore(%arg11 : memref<!tpu.dma_semaphore, #tpu.memory_space<semaphore_mem>>) src(%dma_wait3A_23 : memref<10240x128xf32, #tpu.memory_space<hbm>>) dst(%arg9 : memref<128x128xf32, #tpu.memory_space<vmem>>)
      "tpu.region"() ({
        %run_scoped3A = tpu.sem_alloc : memref<!tpu.dma_semaphore, #tpu.memory_space<semaphore_mem>>
        %dma_start3A_24 = arith.constant 0 : i32
        %dma_start3A_25 = tpu.memref_slice %arg8[%scan3A_13, %dma_start3A_24] : memref<79x128xi32, #tpu.memory_space<vmem>> -> memref<1x128xi32, #tpu.memory_space<vmem>>
        %dma_start3A_26 = tpu.memref_squeeze %dma_start3A_25 : memref<1x128xi32, #tpu.memory_space<vmem>> -> memref<128xi32, #tpu.memory_space<vmem>>
        %dma_start3A_27 = arith.constant 0 : i32
        %dma_start3A_28 = arith.constant 0 : i32
        %dma_start3A_29 = tpu.memref_slice %arg10[%dma_start3A_27, %dma_start3A_28] : memref<10240x128xf32, #tpu.memory_space<vmem_shared>> -> memref<10240x128xf32, #tpu.memory_space<vmem_shared>>
        tpu.enqueue_indirect_dma source(%arg9 : memref<128x128xf32, #tpu.memory_space<vmem>>) target(%dma_start3A_29 : memref<10240x128xf32, #tpu.memory_space<vmem_shared>>) offsets(%dma_start3A_26 : memref<128xi32, #tpu.memory_space<vmem>>) semaphore(%run_scoped3A : memref<!tpu.dma_semaphore, #tpu.memory_space<semaphore_mem>>) {add = true}
        %dma_wait3A_30 = arith.constant 0 : i32
        %dma_wait3A_31 = tpu.memref_slice %arg8[%scan3A_13, %dma_wait3A_30] : memref<79x128xi32, #tpu.memory_space<vmem>> -> memref<1x128xi32, #tpu.memory_space<vmem>>
        %dma_wait3A_32 = tpu.memref_squeeze %dma_wait3A_31 : memref<1x128xi32, #tpu.memory_space<vmem>> -> memref<128xi32, #tpu.memory_space<vmem>>
        %dma_wait3A_33 = arith.constant 0 : i32
        %dma_wait3A_34 = arith.constant 0 : i32
        %dma_wait3A_35 = tpu.memref_slice %arg10[%dma_wait3A_33, %dma_wait3A_34] : memref<10240x128xf32, #tpu.memory_space<vmem_shared>> -> memref<10240x128xf32, #tpu.memory_space<vmem_shared>>
        tpu.wait_indirect_dma semaphore(%run_scoped3A : memref<!tpu.dma_semaphore, #tpu.memory_space<semaphore_mem>>) src(%arg9 : memref<128x128xf32, #tpu.memory_space<vmem>>) dst(%dma_wait3A_35 : memref<10240x128xf32, #tpu.memory_space<vmem_shared>>)
        tpu.yield
      }) : () -> ()
    }
    %scan3A_7 = arith.constant 79 : i32
    %barrier3A_8 = arith.constant 0 : index
    tpu.barrier barrier_id(%barrier3A_8)
    %mul3A_9 = arith.constant 640 : i32
    %mul3A_10 = arith.muli %arg1, %mul3A_9 : i32
    %mul3A_11 = arith.constant 640 : i32
    %mul3A_12 = arith.muli %arg1, %mul3A_11 : i32
    "tpu.region"() ({
      %run_scoped3A = tpu.sem_alloc : memref<!tpu.dma_semaphore, #tpu.memory_space<semaphore_mem>>
      %dma_start3A = arith.constant 0 : i32
      %dma_start3A_13 = tpu.memref_slice %arg6[%arg0, %mul3A_12, %dma_start3A] : memref<2x10240x128xf32, #tpu.memory_space<hbm>> -> memref<1x640x128xf32, #tpu.memory_space<hbm>>
      %dma_start3A_14 = tpu.memref_squeeze %dma_start3A_13 : memref<1x640x128xf32, #tpu.memory_space<hbm>> -> memref<640x128xf32, #tpu.memory_space<hbm>>
      %dma_start3A_15 = arith.constant 0 : i32
      %dma_start3A_16 = tpu.memref_slice %arg10[%mul3A_10, %dma_start3A_15] : memref<10240x128xf32, #tpu.memory_space<vmem_shared>> -> memref<640x128xf32, #tpu.memory_space<vmem_shared>>
      tpu.enqueue_dma source(%dma_start3A_16 : memref<640x128xf32, #tpu.memory_space<vmem_shared>>) target(%dma_start3A_14 : memref<640x128xf32, #tpu.memory_space<hbm>>) target_semaphore(%run_scoped3A : memref<!tpu.dma_semaphore, #tpu.memory_space<semaphore_mem>>)
      %dma_wait3A = arith.constant 0 : i32
      %dma_wait3A_17 = tpu.memref_slice %arg6[%arg0, %mul3A_12, %dma_wait3A] : memref<2x10240x128xf32, #tpu.memory_space<hbm>> -> memref<1x640x128xf32, #tpu.memory_space<hbm>>
      %dma_wait3A_18 = tpu.memref_squeeze %dma_wait3A_17 : memref<1x640x128xf32, #tpu.memory_space<hbm>> -> memref<640x128xf32, #tpu.memory_space<hbm>>
      %dma_wait3A_19 = arith.constant 0 : i32
      %dma_wait3A_20 = tpu.memref_slice %arg10[%mul3A_10, %dma_wait3A_19] : memref<10240x128xf32, #tpu.memory_space<vmem_shared>> -> memref<640x128xf32, #tpu.memory_space<vmem_shared>>
      tpu.wait_dma2 semaphore(%run_scoped3A : memref<!tpu.dma_semaphore, #tpu.memory_space<semaphore_mem>>) src(%dma_wait3A_20 : memref<640x128xf32, #tpu.memory_space<vmem_shared>>) dst(%dma_wait3A_18 : memref<640x128xf32, #tpu.memory_space<hbm>>)
      tpu.yield
    }) : () -> ()
    return
  }
}

#map = affine_map<(d0, d1) -> (0, 0)>
#map1 = affine_map<(d0, d1) -> (0, 0, 0)>
module attributes {stable_mosaic.version = 14 : i64} {
  func.func @agg_kernel(%arg0: i32, %arg1: i32, %arg2: memref<10240x128xf32, #tpu.memory_space<hbm>>, %arg3: memref<32x79x128xi32, #tpu.memory_space<hbm>>, %arg4: memref<32x79x128xi32, #tpu.memory_space<hbm>>, %arg5: memref<640x128xf32, #tpu.memory_space<hbm>>, %arg6: memref<2x10240x128xf32, #tpu.memory_space<hbm>>, %arg7: memref<79x128xi32, #tpu.memory_space<vmem>>, %arg8: memref<79x128xi32, #tpu.memory_space<vmem>>, %arg9: memref<128x128xf32, #tpu.memory_space<vmem>>, %arg10: memref<10240x128xf32, #tpu.memory_space<vmem_shared>>, %arg11: memref<!tpu.dma_semaphore, #tpu.memory_space<semaphore_mem>>) attributes {dimension_semantics = [#tpu.dimension_semantics<core_parallel>, #tpu.dimension_semantics<subcore_parallel>], iteration_bounds = array<i64: 2, 16>, scalar_prefetch = 0 : i64, scratch_operands = 5 : i64, tpu.core_type = #tpu.core_type<sc_vector_subcore>, window_params = [{transform_indices = #map}, {transform_indices = #map1}, {transform_indices = #map1}, {transform_indices = #map}, {transform_indices = #map1}]} {
    %mul3A = arith.constant 2 : i32
    %mul3A_0 = arith.muli %arg1, %mul3A : i32
    %add3A = arith.addi %mul3A_0, %arg0 : i32
    %mul3A_1 = arith.constant 640 : i32
    %mul3A_2 = arith.muli %arg1, %mul3A_1 : i32
    "tpu.region"() ({
      %run_scoped3A = tpu.sem_alloc : memref<!tpu.dma_semaphore, #tpu.memory_space<semaphore_mem>>
      %dma_start3A = arith.constant 0 : i32
      %dma_start3A_13 = tpu.memref_slice %arg10[%mul3A_2, %dma_start3A] : memref<10240x128xf32, #tpu.memory_space<vmem_shared>> -> memref<640x128xf32, #tpu.memory_space<vmem_shared>>
      tpu.enqueue_dma source(%arg5 : memref<640x128xf32, #tpu.memory_space<hbm>>) target(%dma_start3A_13 : memref<640x128xf32, #tpu.memory_space<vmem_shared>>) target_semaphore(%run_scoped3A : memref<!tpu.dma_semaphore, #tpu.memory_space<semaphore_mem>>)
      %dma_wait3A = arith.constant 0 : i32
      %dma_wait3A_14 = tpu.memref_slice %arg10[%mul3A_2, %dma_wait3A] : memref<10240x128xf32, #tpu.memory_space<vmem_shared>> -> memref<640x128xf32, #tpu.memory_space<vmem_shared>>
      tpu.wait_dma2 semaphore(%run_scoped3A : memref<!tpu.dma_semaphore, #tpu.memory_space<semaphore_mem>>) src(%arg5 : memref<640x128xf32, #tpu.memory_space<hbm>>) dst(%dma_wait3A_14 : memref<640x128xf32, #tpu.memory_space<vmem_shared>>)
      tpu.yield
    }) : () -> ()
    "tpu.region"() ({
      %run_scoped3A = tpu.sem_alloc : memref<!tpu.dma_semaphore, #tpu.memory_space<semaphore_mem>>
      %dma_start3A = arith.constant 0 : i32
      %dma_start3A_13 = arith.constant 0 : i32
      %dma_start3A_14 = tpu.memref_slice %arg3[%add3A, %dma_start3A, %dma_start3A_13] : memref<32x79x128xi32, #tpu.memory_space<hbm>> -> memref<1x79x128xi32, #tpu.memory_space<hbm>>
      %dma_start3A_15 = tpu.memref_squeeze %dma_start3A_14 : memref<1x79x128xi32, #tpu.memory_space<hbm>> -> memref<79x128xi32, #tpu.memory_space<hbm>>
      %dma_start3A_16 = arith.constant 0 : i32
      %dma_start3A_17 = arith.constant 0 : i32
      %dma_start3A_18 = tpu.memref_slice %arg3[%add3A, %dma_start3A_16, %dma_start3A_17] : memref<32x79x128xi32, #tpu.memory_space<hbm>> -> memref<1x79x128xi32, #tpu.memory_space<hbm>>
      %dma_start3A_19 = tpu.memref_squeeze %dma_start3A_18 : memref<1x79x128xi32, #tpu.memory_space<hbm>> -> memref<79x128xi32, #tpu.memory_space<hbm>>
      tpu.enqueue_dma source(%dma_start3A_19 : memref<79x128xi32, #tpu.memory_space<hbm>>) target(%arg7 : memref<79x128xi32, #tpu.memory_space<vmem>>) target_semaphore(%run_scoped3A : memref<!tpu.dma_semaphore, #tpu.memory_space<semaphore_mem>>)
      %dma_wait3A = arith.constant 0 : i32
      %dma_wait3A_20 = arith.constant 0 : i32
      %dma_wait3A_21 = tpu.memref_slice %arg3[%add3A, %dma_wait3A, %dma_wait3A_20] : memref<32x79x128xi32, #tpu.memory_space<hbm>> -> memref<1x79x128xi32, #tpu.memory_space<hbm>>
      %dma_wait3A_22 = tpu.memref_squeeze %dma_wait3A_21 : memref<1x79x128xi32, #tpu.memory_space<hbm>> -> memref<79x128xi32, #tpu.memory_space<hbm>>
      %dma_wait3A_23 = arith.constant 0 : i32
      %dma_wait3A_24 = arith.constant 0 : i32
      %dma_wait3A_25 = tpu.memref_slice %arg3[%add3A, %dma_wait3A_23, %dma_wait3A_24] : memref<32x79x128xi32, #tpu.memory_space<hbm>> -> memref<1x79x128xi32, #tpu.memory_space<hbm>>
      %dma_wait3A_26 = tpu.memref_squeeze %dma_wait3A_25 : memref<1x79x128xi32, #tpu.memory_space<hbm>> -> memref<79x128xi32, #tpu.memory_space<hbm>>
      tpu.wait_dma2 semaphore(%run_scoped3A : memref<!tpu.dma_semaphore, #tpu.memory_space<semaphore_mem>>) src(%dma_wait3A_26 : memref<79x128xi32, #tpu.memory_space<hbm>>) dst(%arg7 : memref<79x128xi32, #tpu.memory_space<vmem>>)
      tpu.yield
    }) : () -> ()
    "tpu.region"() ({
      %run_scoped3A = tpu.sem_alloc : memref<!tpu.dma_semaphore, #tpu.memory_space<semaphore_mem>>
      %dma_start3A = arith.constant 0 : i32
      %dma_start3A_13 = arith.constant 0 : i32
      %dma_start3A_14 = tpu.memref_slice %arg4[%add3A, %dma_start3A, %dma_start3A_13] : memref<32x79x128xi32, #tpu.memory_space<hbm>> -> memref<1x79x128xi32, #tpu.memory_space<hbm>>
      %dma_start3A_15 = tpu.memref_squeeze %dma_start3A_14 : memref<1x79x128xi32, #tpu.memory_space<hbm>> -> memref<79x128xi32, #tpu.memory_space<hbm>>
      %dma_start3A_16 = arith.constant 0 : i32
      %dma_start3A_17 = arith.constant 0 : i32
      %dma_start3A_18 = tpu.memref_slice %arg4[%add3A, %dma_start3A_16, %dma_start3A_17] : memref<32x79x128xi32, #tpu.memory_space<hbm>> -> memref<1x79x128xi32, #tpu.memory_space<hbm>>
      %dma_start3A_19 = tpu.memref_squeeze %dma_start3A_18 : memref<1x79x128xi32, #tpu.memory_space<hbm>> -> memref<79x128xi32, #tpu.memory_space<hbm>>
      tpu.enqueue_dma source(%dma_start3A_19 : memref<79x128xi32, #tpu.memory_space<hbm>>) target(%arg8 : memref<79x128xi32, #tpu.memory_space<vmem>>) target_semaphore(%run_scoped3A : memref<!tpu.dma_semaphore, #tpu.memory_space<semaphore_mem>>)
      %dma_wait3A = arith.constant 0 : i32
      %dma_wait3A_20 = arith.constant 0 : i32
      %dma_wait3A_21 = tpu.memref_slice %arg4[%add3A, %dma_wait3A, %dma_wait3A_20] : memref<32x79x128xi32, #tpu.memory_space<hbm>> -> memref<1x79x128xi32, #tpu.memory_space<hbm>>
      %dma_wait3A_22 = tpu.memref_squeeze %dma_wait3A_21 : memref<1x79x128xi32, #tpu.memory_space<hbm>> -> memref<79x128xi32, #tpu.memory_space<hbm>>
      %dma_wait3A_23 = arith.constant 0 : i32
      %dma_wait3A_24 = arith.constant 0 : i32
      %dma_wait3A_25 = tpu.memref_slice %arg4[%add3A, %dma_wait3A_23, %dma_wait3A_24] : memref<32x79x128xi32, #tpu.memory_space<hbm>> -> memref<1x79x128xi32, #tpu.memory_space<hbm>>
      %dma_wait3A_26 = tpu.memref_squeeze %dma_wait3A_25 : memref<1x79x128xi32, #tpu.memory_space<hbm>> -> memref<79x128xi32, #tpu.memory_space<hbm>>
      tpu.wait_dma2 semaphore(%run_scoped3A : memref<!tpu.dma_semaphore, #tpu.memory_space<semaphore_mem>>) src(%dma_wait3A_26 : memref<79x128xi32, #tpu.memory_space<hbm>>) dst(%arg8 : memref<79x128xi32, #tpu.memory_space<vmem>>)
      tpu.yield
    }) : () -> ()
    %barrier3A = arith.constant 0 : index
    tpu.barrier barrier_id(%barrier3A)
    %scan3A = arith.constant 0 : i32
    %scan3A_3 = arith.constant 0 : i32
    %scan3A_4 = arith.constant 79 : i32
    %scan3A_5 = arith.addi %scan3A_3, %scan3A_4 : i32
    %scan3A_6 = arith.constant 1 : i32
    scf.for %scan3A_13 = %scan3A_3 to %scan3A_5 step %scan3A_6  : i32 {
      %dma_start3A = arith.constant 0 : i32
      %dma_start3A_14 = tpu.memref_slice %arg7[%scan3A_13, %dma_start3A] : memref<79x128xi32, #tpu.memory_space<vmem>> -> memref<1x128xi32, #tpu.memory_space<vmem>>
      %dma_start3A_15 = tpu.memref_squeeze %dma_start3A_14 : memref<1x128xi32, #tpu.memory_space<vmem>> -> memref<128xi32, #tpu.memory_space<vmem>>
      %dma_start3A_16 = arith.constant 0 : i32
      %dma_start3A_17 = arith.constant 0 : i32
      %dma_start3A_18 = tpu.memref_slice %arg2[%dma_start3A_16, %dma_start3A_17] : memref<10240x128xf32, #tpu.memory_space<hbm>> -> memref<10240x128xf32, #tpu.memory_space<hbm>>
      tpu.enqueue_indirect_dma source(%dma_start3A_18 : memref<10240x128xf32, #tpu.memory_space<hbm>>) target(%arg9 : memref<128x128xf32, #tpu.memory_space<vmem>>) offsets(%dma_start3A_15 : memref<128xi32, #tpu.memory_space<vmem>>) semaphore(%arg11 : memref<!tpu.dma_semaphore, #tpu.memory_space<semaphore_mem>>)
      %dma_wait3A = arith.constant 0 : i32
      %dma_wait3A_19 = tpu.memref_slice %arg7[%scan3A_13, %dma_wait3A] : memref<79x128xi32, #tpu.memory_space<vmem>> -> memref<1x128xi32, #tpu.memory_space<vmem>>
      %dma_wait3A_20 = tpu.memref_squeeze %dma_wait3A_19 : memref<1x128xi32, #tpu.memory_space<vmem>> -> memref<128xi32, #tpu.memory_space<vmem>>
      %dma_wait3A_21 = arith.constant 0 : i32
      %dma_wait3A_22 = arith.constant 0 : i32
      %dma_wait3A_23 = tpu.memref_slice %arg2[%dma_wait3A_21, %dma_wait3A_22] : memref<10240x128xf32, #tpu.memory_space<hbm>> -> memref<10240x128xf32, #tpu.memory_space<hbm>>
      tpu.wait_indirect_dma semaphore(%arg11 : memref<!tpu.dma_semaphore, #tpu.memory_space<semaphore_mem>>) src(%dma_wait3A_23 : memref<10240x128xf32, #tpu.memory_space<hbm>>) dst(%arg9 : memref<128x128xf32, #tpu.memory_space<vmem>>)
      "tpu.region"() ({
        %run_scoped3A = tpu.sem_alloc : memref<!tpu.dma_semaphore, #tpu.memory_space<semaphore_mem>>
        %dma_start3A_24 = arith.constant 0 : i32
        %dma_start3A_25 = tpu.memref_slice %arg8[%scan3A_13, %dma_start3A_24] : memref<79x128xi32, #tpu.memory_space<vmem>> -> memref<1x128xi32, #tpu.memory_space<vmem>>
        %dma_start3A_26 = tpu.memref_squeeze %dma_start3A_25 : memref<1x128xi32, #tpu.memory_space<vmem>> -> memref<128xi32, #tpu.memory_space<vmem>>
        %dma_start3A_27 = arith.constant 0 : i32
        %dma_start3A_28 = arith.constant 0 : i32
        %dma_start3A_29 = tpu.memref_slice %arg10[%dma_start3A_27, %dma_start3A_28] : memref<10240x128xf32, #tpu.memory_space<vmem_shared>> -> memref<10240x128xf32, #tpu.memory_space<vmem_shared>>
        tpu.enqueue_indirect_dma source(%arg9 : memref<128x128xf32, #tpu.memory_space<vmem>>) target(%dma_start3A_29 : memref<10240x128xf32, #tpu.memory_space<vmem_shared>>) offsets(%dma_start3A_26 : memref<128xi32, #tpu.memory_space<vmem>>) semaphore(%run_scoped3A : memref<!tpu.dma_semaphore, #tpu.memory_space<semaphore_mem>>) {add = true}
        %dma_wait3A_30 = arith.constant 0 : i32
        %dma_wait3A_31 = tpu.memref_slice %arg8[%scan3A_13, %dma_wait3A_30] : memref<79x128xi32, #tpu.memory_space<vmem>> -> memref<1x128xi32, #tpu.memory_space<vmem>>
        %dma_wait3A_32 = tpu.memref_squeeze %dma_wait3A_31 : memref<1x128xi32, #tpu.memory_space<vmem>> -> memref<128xi32, #tpu.memory_space<vmem>>
        %dma_wait3A_33 = arith.constant 0 : i32
        %dma_wait3A_34 = arith.constant 0 : i32
        %dma_wait3A_35 = tpu.memref_slice %arg10[%dma_wait3A_33, %dma_wait3A_34] : memref<10240x128xf32, #tpu.memory_space<vmem_shared>> -> memref<10240x128xf32, #tpu.memory_space<vmem_shared>>
        tpu.wait_indirect_dma semaphore(%run_scoped3A : memref<!tpu.dma_semaphore, #tpu.memory_space<semaphore_mem>>) src(%arg9 : memref<128x128xf32, #tpu.memory_space<vmem>>) dst(%dma_wait3A_35 : memref<10240x128xf32, #tpu.memory_space<vmem_shared>>)
        tpu.yield
      }) : () -> ()
    }
    %scan3A_7 = arith.constant 79 : i32
    %barrier3A_8 = arith.constant 0 : index
    tpu.barrier barrier_id(%barrier3A_8)
    %mul3A_9 = arith.constant 640 : i32
    %mul3A_10 = arith.muli %arg1, %mul3A_9 : i32
    %mul3A_11 = arith.constant 640 : i32
    %mul3A_12 = arith.muli %arg1, %mul3A_11 : i32
    "tpu.region"() ({
      %run_scoped3A = tpu.sem_alloc : memref<!tpu.dma_semaphore, #tpu.memory_space<semaphore_mem>>
      %dma_start3A = arith.constant 0 : i32
      %dma_start3A_13 = tpu.memref_slice %arg6[%arg0, %mul3A_12, %dma_start3A] : memref<2x10240x128xf32, #tpu.memory_space<hbm>> -> memref<1x640x128xf32, #tpu.memory_space<hbm>>
      %dma_start3A_14 = tpu.memref_squeeze %dma_start3A_13 : memref<1x640x128xf32, #tpu.memory_space<hbm>> -> memref<640x128xf32, #tpu.memory_space<hbm>>
      %dma_start3A_15 = arith.constant 0 : i32
      %dma_start3A_16 = tpu.memref_slice %arg10[%mul3A_10, %dma_start3A_15] : memref<10240x128xf32, #tpu.memory_space<vmem_shared>> -> memref<640x128xf32, #tpu.memory_space<vmem_shared>>
      tpu.enqueue_dma source(%dma_start3A_16 : memref<640x128xf32, #tpu.memory_space<vmem_shared>>) target(%dma_start3A_14 : memref<640x128xf32, #tpu.memory_space<hbm>>) target_semaphore(%run_scoped3A : memref<!tpu.dma_semaphore, #tpu.memory_space<semaphore_mem>>)
      %dma_wait3A = arith.constant 0 : i32
      %dma_wait3A_17 = tpu.memref_slice %arg6[%arg0, %mul3A_12, %dma_wait3A] : memref<2x10240x128xf32, #tpu.memory_space<hbm>> -> memref<1x640x128xf32, #tpu.memory_space<hbm>>
      %dma_wait3A_18 = tpu.memref_squeeze %dma_wait3A_17 : memref<1x640x128xf32, #tpu.memory_space<hbm>> -> memref<640x128xf32, #tpu.memory_space<hbm>>
      %dma_wait3A_19 = arith.constant 0 : i32
      %dma_wait3A_20 = tpu.memref_slice %arg10[%mul3A_10, %dma_wait3A_19] : memref<10240x128xf32, #tpu.memory_space<vmem_shared>> -> memref<640x128xf32, #tpu.memory_space<vmem_shared>>
      tpu.wait_dma2 semaphore(%run_scoped3A : memref<!tpu.dma_semaphore, #tpu.memory_space<semaphore_mem>>) src(%dma_wait3A_20 : memref<640x128xf32, #tpu.memory_space<vmem_shared>>) dst(%dma_wait3A_18 : memref<640x128xf32, #tpu.memory_space<hbm>>)
      tpu.yield
    }) : () -> ()
    return
  }
}

module attributes {stable_mosaic.version = 14 : i64} {
  func.func @body(%arg0: i32, %arg1: memref<1024x128xf32, #tpu.memory_space<vmem>>, %arg2: memref<128x128xf32, #tpu.memory_space<vmem>>, %arg3: memref<1024x1xf32, #tpu.memory_space<vmem>>, %arg4: memref<1024x128xf32, #tpu.memory_space<vmem>>) attributes {dimension_semantics = [#tpu.dimension_semantics<arbitrary>], iteration_bounds = array<i64: 10>, scalar_prefetch = 0 : i64, scratch_operands = 0 : i64, tpu.core_type = #tpu.core_type<tc>, window_params = [{transform_indices = @transform_0, window_bounds = array<i64: 1024, 128>}, {pipeline_mode = #tpu.pipeline_mode<synchronous>, transform_indices = @transform_1, window_bounds = array<i64: 128, 128>}, {transform_indices = @transform_2, window_bounds = array<i64: 1024, 1>}, {transform_indices = @transform_3, window_bounds = array<i64: 1024, 128>}]} {
    %get3A = arith.constant 0 : index
    %get3A_0 = arith.constant 0 : index
    %get3A_1 = vector.load %arg3[%get3A, %get3A_0] : memref<1024x1xf32, #tpu.memory_space<vmem>>, vector<1024x1xf32>
    %jit3A = arith.constant 1.000000e+00 : f32
    %max3A = vector.broadcast %jit3A : f32 to vector<1024x1xf32>
    %max3A_2 = arith.maximumf %max3A, %get3A_1 : vector<1024x1xf32>
    %rsqrt3A = math.rsqrt %max3A_2 : vector<1024x1xf32>
    %get3A_3 = arith.constant 0 : index
    %get3A_4 = arith.constant 0 : index
    %get3A_5 = vector.load %arg1[%get3A_3, %get3A_4] : memref<1024x128xf32, #tpu.memory_space<vmem>>, vector<1024x128xf32>
    %get3A_6 = arith.constant 0 : index
    %get3A_7 = arith.constant 0 : index
    %get3A_8 = vector.load %arg2[%get3A_6, %get3A_7] : memref<128x128xf32, #tpu.memory_space<vmem>>, vector<128x128xf32>
    %dot_general3A = arith.constant dense<0.000000e+00> : vector<1024x128xf32>
    %dot_general3A_9 = tpu.matmul %get3A_5, %get3A_8, %dot_general3A {dimension_numbers = #tpu.dot_dimension_numbers<[1], [0], [0], [1], [0, 0, 1, 1], [], []>, transpose_lhs_hint = false} : vector<1024x128xf32>, vector<128x128xf32>, vector<1024x128xf32> -> vector<1024x128xf32>
    %mul3A = vector.broadcast %rsqrt3A : vector<1024x1xf32> to vector<1024x128xf32>
    %mul3A_10 = arith.mulf %dot_general3A_9, %mul3A : vector<1024x128xf32>
    %swap3A = arith.constant 0 : index
    %swap3A_11 = arith.constant 0 : index
    %swap3A_12 = vector.load %arg4[%swap3A, %swap3A_11] : memref<1024x128xf32, #tpu.memory_space<vmem>>, vector<1024x128xf32>
    tpu.vector_store %arg4[%swap3A, %swap3A_11], %mul3A_10 {strides = array<i32>} : memref<1024x128xf32, #tpu.memory_space<vmem>>, vector<1024x128xf32>,
    return
  }
  func.func @transform_0(%arg0: i32) -> (i32, i32) {
    %c0_i32 = arith.constant 0 : i32
    %c0_i32_0 = arith.constant 0 : i32
    return %arg0, %c0_i32 : i32, i32
  }
  func.func @transform_1(%arg0: i32) -> (i32, i32) {
    %c0_i32 = arith.constant 0 : i32
    %c0_i32_0 = arith.constant 0 : i32
    %c0_i32_1 = arith.constant 0 : i32
    return %c0_i32, %c0_i32_0 : i32, i32
  }
  func.func @transform_2(%arg0: i32) -> (i32, i32) {
    %c0_i32 = arith.constant 0 : i32
    %c0_i32_0 = arith.constant 0 : i32
    return %arg0, %c0_i32 : i32, i32
  }
  func.func @transform_3(%arg0: i32) -> (i32, i32) {
    %c0_i32 = arith.constant 0 : i32
    %c0_i32_0 = arith.constant 0 : i32
    return %arg0, %c0_i32 : i32, i32
  }
}

module attributes {stable_mosaic.version = 14 : i64} {
  func.func @body(%arg0: i32, %arg1: memref<1024x128xf32, #tpu.memory_space<vmem>>, %arg2: memref<1024x128xf32, #tpu.memory_space<vmem>>, %arg3: memref<1024x1xf32, #tpu.memory_space<vmem>>, %arg4: memref<1024x1xf32, #tpu.memory_space<vmem>>, %arg5: memref<1x128xf32, #tpu.memory_space<vmem>>, %arg6: memref<128x128xf32, #tpu.memory_space<vmem>>, %arg7: memref<1024x128xf32, #tpu.memory_space<vmem>>) attributes {dimension_semantics = [#tpu.dimension_semantics<arbitrary>], iteration_bounds = array<i64: 10>, scalar_prefetch = 0 : i64, scratch_operands = 0 : i64, tpu.core_type = #tpu.core_type<tc>, window_params = [{transform_indices = @transform_0, window_bounds = array<i64: 1024, 128>}, {transform_indices = @transform_1, window_bounds = array<i64: 1024, 128>}, {transform_indices = @transform_2, window_bounds = array<i64: 1024, 1>}, {transform_indices = @transform_3, window_bounds = array<i64: 1024, 1>}, {pipeline_mode = #tpu.pipeline_mode<synchronous>, transform_indices = @transform_4, window_bounds = array<i64: 1, 128>}, {pipeline_mode = #tpu.pipeline_mode<synchronous>, transform_indices = @transform_5, window_bounds = array<i64: 128, 128>}, {transform_indices = @transform_6, window_bounds = array<i64: 1024, 128>}]} {
    %get3A = arith.constant 0 : index
    %get3A_0 = arith.constant 0 : index
    %get3A_1 = vector.load %arg3[%get3A, %get3A_0] : memref<1024x1xf32, #tpu.memory_space<vmem>>, vector<1024x1xf32>
    %jit3A = arith.constant 1.000000e+00 : f32
    %max3A = vector.broadcast %jit3A : f32 to vector<1024x1xf32>
    %max3A_2 = arith.maximumf %max3A, %get3A_1 : vector<1024x1xf32>
    %rsqrt3A = math.rsqrt %max3A_2 : vector<1024x1xf32>
    %get3A_3 = arith.constant 0 : index
    %get3A_4 = arith.constant 0 : index
    %get3A_5 = vector.load %arg4[%get3A_3, %get3A_4] : memref<1024x1xf32, #tpu.memory_space<vmem>>, vector<1024x1xf32>
    %jit3A_6 = arith.constant 1.000000e+00 : f32
    %max3A_7 = vector.broadcast %jit3A_6 : f32 to vector<1024x1xf32>
    %max3A_8 = arith.maximumf %max3A_7, %get3A_5 : vector<1024x1xf32>
    %rsqrt3A_9 = math.rsqrt %max3A_8 : vector<1024x1xf32>
    %get3A_10 = arith.constant 0 : index
    %get3A_11 = arith.constant 0 : index
    %get3A_12 = vector.load %arg1[%get3A_10, %get3A_11] : memref<1024x128xf32, #tpu.memory_space<vmem>>, vector<1024x128xf32>
    %get3A_13 = arith.constant 0 : index
    %get3A_14 = arith.constant 0 : index
    %get3A_15 = vector.load %arg2[%get3A_13, %get3A_14] : memref<1024x128xf32, #tpu.memory_space<vmem>>, vector<1024x128xf32>
    %add3A = arith.addf %get3A_12, %get3A_15 : vector<1024x128xf32>
    %mul3A = vector.broadcast %rsqrt3A : vector<1024x1xf32> to vector<1024x128xf32>
    %mul3A_16 = arith.mulf %add3A, %mul3A : vector<1024x128xf32>
    %get3A_17 = arith.constant 0 : index
    %get3A_18 = arith.constant 0 : index
    %get3A_19 = vector.load %arg5[%get3A_17, %get3A_18] : memref<1x128xf32, #tpu.memory_space<vmem>>, vector<1x128xf32>
    %add3A_20 = vector.broadcast %get3A_19 : vector<1x128xf32> to vector<1024x128xf32>
    %add3A_21 = arith.addf %mul3A_16, %add3A_20 : vector<1024x128xf32>
    %max3A_22 = arith.constant 0.000000e+00 : f32
    %max3A_23 = vector.broadcast %max3A_22 : f32 to vector<1024x128xf32>
    %max3A_24 = arith.maximumf %add3A_21, %max3A_23 : vector<1024x128xf32>
    %get3A_25 = arith.constant 0 : index
    %get3A_26 = arith.constant 0 : index
    %get3A_27 = vector.load %arg6[%get3A_25, %get3A_26] : memref<128x128xf32, #tpu.memory_space<vmem>>, vector<128x128xf32>
    %dot_general3A = arith.constant dense<0.000000e+00> : vector<1024x128xf32>
    %dot_general3A_28 = tpu.matmul %max3A_24, %get3A_27, %dot_general3A {dimension_numbers = #tpu.dot_dimension_numbers<[1], [0], [0], [1], [0, 0, 1, 1], [], []>, transpose_lhs_hint = false} : vector<1024x128xf32>, vector<128x128xf32>, vector<1024x128xf32> -> vector<1024x128xf32>
    %mul3A_29 = vector.broadcast %rsqrt3A_9 : vector<1024x1xf32> to vector<1024x128xf32>
    %mul3A_30 = arith.mulf %dot_general3A_28, %mul3A_29 : vector<1024x128xf32>
    %swap3A = arith.constant 0 : index
    %swap3A_31 = arith.constant 0 : index
    %swap3A_32 = vector.load %arg7[%swap3A, %swap3A_31] : memref<1024x128xf32, #tpu.memory_space<vmem>>, vector<1024x128xf32>
    tpu.vector_store %arg7[%swap3A, %swap3A_31], %mul3A_30 {strides = array<i32>} : memref<1024x128xf32, #tpu.memory_space<vmem>>, vector<1024x128xf32>,
    return
  }
  func.func @transform_0(%arg0: i32) -> (i32, i32) {
    %c0_i32 = arith.constant 0 : i32
    %c0_i32_0 = arith.constant 0 : i32
    return %arg0, %c0_i32 : i32, i32
  }
  func.func @transform_1(%arg0: i32) -> (i32, i32) {
    %c0_i32 = arith.constant 0 : i32
    %c0_i32_0 = arith.constant 0 : i32
    return %arg0, %c0_i32 : i32, i32
  }
  func.func @transform_2(%arg0: i32) -> (i32, i32) {
    %c0_i32 = arith.constant 0 : i32
    %c0_i32_0 = arith.constant 0 : i32
    return %arg0, %c0_i32 : i32, i32
  }
  func.func @transform_3(%arg0: i32) -> (i32, i32) {
    %c0_i32 = arith.constant 0 : i32
    %c0_i32_0 = arith.constant 0 : i32
    return %arg0, %c0_i32 : i32, i32
  }
  func.func @transform_4(%arg0: i32) -> (i32, i32) {
    %c0_i32 = arith.constant 0 : i32
    %c0_i32_0 = arith.constant 0 : i32
    %c0_i32_1 = arith.constant 0 : i32
    return %c0_i32, %c0_i32_0 : i32, i32
  }
  func.func @transform_5(%arg0: i32) -> (i32, i32) {
    %c0_i32 = arith.constant 0 : i32
    %c0_i32_0 = arith.constant 0 : i32
    %c0_i32_1 = arith.constant 0 : i32
    return %c0_i32, %c0_i32_0 : i32, i32
  }
  func.func @transform_6(%arg0: i32) -> (i32, i32) {
    %c0_i32 = arith.constant 0 : i32
    %c0_i32_0 = arith.constant 0 : i32
    return %arg0, %c0_i32 : i32, i32
  }
}

module attributes {stable_mosaic.version = 14 : i64} {
  func.func @body(%arg0: i32, %arg1: memref<1024x128xf32, #tpu.memory_space<vmem>>, %arg2: memref<1024x128xf32, #tpu.memory_space<vmem>>, %arg3: memref<1024x1xf32, #tpu.memory_space<vmem>>, %arg4: memref<1x128xf32, #tpu.memory_space<vmem>>, %arg5: memref<1024x128xf32, #tpu.memory_space<vmem>>) attributes {dimension_semantics = [#tpu.dimension_semantics<arbitrary>], iteration_bounds = array<i64: 10>, scalar_prefetch = 0 : i64, scratch_operands = 0 : i64, tpu.core_type = #tpu.core_type<tc>, window_params = [{transform_indices = @transform_0, window_bounds = array<i64: 1024, 128>}, {transform_indices = @transform_1, window_bounds = array<i64: 1024, 128>}, {transform_indices = @transform_2, window_bounds = array<i64: 1024, 1>}, {pipeline_mode = #tpu.pipeline_mode<synchronous>, transform_indices = @transform_3, window_bounds = array<i64: 1, 128>}, {transform_indices = @transform_4, window_bounds = array<i64: 1024, 128>}]} {
    %get3A = arith.constant 0 : index
    %get3A_0 = arith.constant 0 : index
    %get3A_1 = vector.load %arg3[%get3A, %get3A_0] : memref<1024x1xf32, #tpu.memory_space<vmem>>, vector<1024x1xf32>
    %jit3A = arith.constant 1.000000e+00 : f32
    %max3A = vector.broadcast %jit3A : f32 to vector<1024x1xf32>
    %max3A_2 = arith.maximumf %max3A, %get3A_1 : vector<1024x1xf32>
    %rsqrt3A = math.rsqrt %max3A_2 : vector<1024x1xf32>
    %get3A_3 = arith.constant 0 : index
    %get3A_4 = arith.constant 0 : index
    %get3A_5 = vector.load %arg1[%get3A_3, %get3A_4] : memref<1024x128xf32, #tpu.memory_space<vmem>>, vector<1024x128xf32>
    %get3A_6 = arith.constant 0 : index
    %get3A_7 = arith.constant 0 : index
    %get3A_8 = vector.load %arg2[%get3A_6, %get3A_7] : memref<1024x128xf32, #tpu.memory_space<vmem>>, vector<1024x128xf32>
    %add3A = arith.addf %get3A_5, %get3A_8 : vector<1024x128xf32>
    %mul3A = vector.broadcast %rsqrt3A : vector<1024x1xf32> to vector<1024x128xf32>
    %mul3A_9 = arith.mulf %add3A, %mul3A : vector<1024x128xf32>
    %get3A_10 = arith.constant 0 : index
    %get3A_11 = arith.constant 0 : index
    %get3A_12 = vector.load %arg4[%get3A_10, %get3A_11] : memref<1x128xf32, #tpu.memory_space<vmem>>, vector<1x128xf32>
    %add3A_13 = vector.broadcast %get3A_12 : vector<1x128xf32> to vector<1024x128xf32>
    %add3A_14 = arith.addf %mul3A_9, %add3A_13 : vector<1024x128xf32>
    %max3A_15 = arith.constant 0.000000e+00 : f32
    %max3A_16 = vector.broadcast %max3A_15 : f32 to vector<1024x128xf32>
    %max3A_17 = arith.maximumf %add3A_14, %max3A_16 : vector<1024x128xf32>
    %swap3A = arith.constant 0 : index
    %swap3A_18 = arith.constant 0 : index
    %swap3A_19 = vector.load %arg5[%swap3A, %swap3A_18] : memref<1024x128xf32, #tpu.memory_space<vmem>>, vector<1024x128xf32>
    tpu.vector_store %arg5[%swap3A, %swap3A_18], %max3A_17 {strides = array<i32>} : memref<1024x128xf32, #tpu.memory_space<vmem>>, vector<1024x128xf32>,
    return
  }
  func.func @transform_0(%arg0: i32) -> (i32, i32) {
    %c0_i32 = arith.constant 0 : i32
    %c0_i32_0 = arith.constant 0 : i32
    return %arg0, %c0_i32 : i32, i32
  }
  func.func @transform_1(%arg0: i32) -> (i32, i32) {
    %c0_i32 = arith.constant 0 : i32
    %c0_i32_0 = arith.constant 0 : i32
    return %arg0, %c0_i32 : i32, i32
  }
  func.func @transform_2(%arg0: i32) -> (i32, i32) {
    %c0_i32 = arith.constant 0 : i32
    %c0_i32_0 = arith.constant 0 : i32
    return %arg0, %c0_i32 : i32, i32
  }
  func.func @transform_3(%arg0: i32) -> (i32, i32) {
    %c0_i32 = arith.constant 0 : i32
    %c0_i32_0 = arith.constant 0 : i32
    %c0_i32_1 = arith.constant 0 : i32
    return %c0_i32, %c0_i32_0 : i32, i32
  }
  func.func @transform_4(%arg0: i32) -> (i32, i32) {
    %c0_i32 = arith.constant 0 : i32
    %c0_i32_0 = arith.constant 0 : i32
    return %arg0, %c0_i32 : i32, i32
  }
}

</mosaic_0001>

<sc_bundles>
// kernel: kernel.11.cloned.1.call-start
scs
__scs_entry_jumppad:
0x0: {  	(pc) =	sbr.rel $0x88, $3  }
0x1: {  	(tag) =	ssettag $0x0;
	lr =	simm.s32 $0x1  }
0x2: {  	[smem:$0x3F9B] =	sst lr;
	_ =	strace $0xD0000000  }
0x3: {  	_ = 	snop  }
0x4: {  	_ = 	snop  }
0x5: {  	_ = 	snop  }
0x6: {  	_ = 	snop  }
0x7: {  	_ = 	snop  }
__scs_overlays_trampoline_lowered:
0x8: {  	[smem:$0x3FAA] =	sst s0  }
0x9: {  	[smem:$0x3FAB] =	sst s1  }
0xa: {  	[smem:$0x3FAC] =	sst s2  }
0xb: {  	[smem:$0x3FAD] =	sst s3  }
0xc: {  	[smem:$0x3FAE] =	sst s4  }
0xd: {  	[smem:$0x3FAF] =	sst s5  }
0xe: {  	[smem:$0x3FB0] =	sst s6  }
0xf: {  	[smem:$0x3FB1] =	sst s7  }
0x10: {  	[smem:$0x3FB2] =	sst s8  }
0x11: {  	[smem:$0x3FB3] =	sst s9;
	s0 =	simm.s32 @!p0 $0x0  }
0x12: {  	s1 =	sld [smem:$0x3F99];
	s0 =	simm.s32 @p0 $0x1  }
0x13: {  	[smem:$0x3FB4] =	sst s0;
	s0 =	simm.s32 @!p1 $0x0  }
0x14: {  	s2 =	sld [smem:$0x3F98];
	s0 =	simm.s32 @p1 $0x1  }
0x15: {  	[smem:$0x3FB5] =	sst s0;
	s0 =	simm.s32 @!p2 $0x0  }
0x16: {  	s3 =	sld [smem:$0x3FDB];
	s0 =	simm.s32 @p2 $0x1  }
0x17: {  	s4 =	simm.s32 $0x1BF5;
	[smem:$0x3FB7] =	sst s0  }
0x18: {  	s0 =	sld [smem:$0x3F9A];
	_ =	swait.ge [sflag:s4], $0x0  }
0x19: {  	s7 =	sld [smem:$0x3F9B]  }
0x1a: {  	s8 =	sadd.s32 $0xFFFFE003, lr  }
0x1b: {  	s9 =	sadd.s32 $0xFFFFFEF7, lr;
	s5 =	simm.s32 $0xFFFFFFFF;
	p2 =	slt.u32 s8, $0xFFFFF086  }
0x1c: {  	p1 =	slt.u32 s9, $0xF7A;
	s5 =	simm.s32 @!p2 $0x0  }
0x1d: {  	s5 =	simm.s32 @p1 $0x1;
	p0 =	seq.s32 s7, s2  }
0x1e: {  	s7 =	smul.u32 @!p0 $0xF7A, s2;
	p2 =	seq.s32 @!p0 s5, $0x0  }
0x1f: {  	s9 =	smul.u32 $0xF7A, s1;
	s8 =	simm.s32 @!p0 $0x1BF5;
	p2 =	por !p2, p0  }
0x20: {  	[sflag:s8] =	ssyncset.s32 @!p0 $0xFFFFF086;
	s6 =	sadd.s32 @!p0 s3, s7;
	s7 =	simm.s32 @!p0 $0x108  }
0x21: {  	s3 =	sadd.s32 s3, s9;
	s6 =	sadd.s32 @!p0 $0x88, s6;
	s7 =	simm.s32 @p2 $0x1082  }
0x22: {  	[simem:s7], [sflag:s8] =	dma.local @!p0 [hbm:s6], $0xF7A  }
0x23: {  	s9 =	sor.u32 $0xD0000000, s2;
	s6 =	simm.s32 $0x108;
	_ =	swait.ge @!p0 [sflag:s8], $0x0  }
0x24: {  	s3 =	sadd.s32 $0x88, s3;
	s6 =	simm.s32 @!p1 $0x1082;
	[sflag:s4] =	ssyncset.s32 $0xFFFFF086  }
0x25: {  	[simem:s6], [sflag:s4] =	dma.local [hbm:s3], $0xF7A  }
0x26: {  	[smem:$0x3F9B] =	sst s1;
	(tag) =	ssettag s2;
	_ =	strace s9  }
0x27: {  	s1 =	sld [smem:$0x3FAB]  }
0x28: {  	s2 =	sld [smem:$0x3FAC]  }
0x29: {  	s4 =	sld [smem:$0x3FAE]  }
0x2a: {  	p0 =	seq.s32 s5, $0x0;
	s5 =	sld [smem:$0x3FAF]  }
0x2b: {  	s6 =	sld [smem:$0x3FB0]  }
0x2c: {  	s7 =	sld [smem:$0x3FB1]  }
0x2d: {  	s3 =	simm.s32 $0x108;
	s8 =	sld [smem:$0x3FB2]  }
0x2e: {  	s3 =	simm.s32 @!p0 $0x1082;
	s9 =	sld [smem:$0x3FB3]  }
0x2f: {  	lr =	sadd.s32 s0, s3;
	s0 =	sld [smem:$0x3FAA]  }
0x30: {  	s3 =	sld [smem:$0x3FAD]  }
0x31: {  	[smem:$0x3FB6] =	sst s10  }
0x32: {  	s10 =	sld [smem:$0x3FB4];
	_ =	sdelay $0x3  }
0x33: {  	p0 =	seq.s32 s10, $0x1;
	s10 =	sld [smem:$0x3FB6];
	_ =	sdelay $0x3  }
0x34: {  	[smem:$0x3FB6] =	sst s10  }
0x35: {  	s10 =	sld [smem:$0x3FB5];
	_ =	sdelay $0x3  }
0x36: {  	p1 =	seq.s32 s10, $0x1;
	s10 =	sld [smem:$0x3FB6];
	_ =	sdelay $0x3  }
0x37: {  	[smem:$0x3FB6] =	sst s10  }
0x38: {  	s10 =	sld [smem:$0x3FB7]  }
0x39: {  	_ = 	snop;
	(pc) =	sbr.ind lr, $3  }
0x3a: {  	_ = 	snop  }
0x3b: {  	_ = 	snop  }
0x3c: {  	p2 =	seq.s32 s10, $0x1;
	s10 =	sld [smem:$0x3FB6]  }
0x3d: {  	_ =	shalt  }
0x3e: {  	_ =	shalt  }
0x3f: {  	_ =	shalt  }
0x40: {  	_ =	shalt  }
0x41: {  	_ =	shalt  }
0x42: {  	_ =	shalt  }
0x43: {  	_ =	shalt  }
0x44: {  	_ =	shalt  }
0x45: {  	_ =	shalt  }
0x46: {  	_ =	shalt  }
0x47: {  	_ =	shalt  }
0x48: {  	_ =	shalt  }
0x49: {  	_ =	shalt  }
0x4a: {  	_ =	shalt  }
0x4b: {  	_ =	shalt  }
0x4c: {  	_ =	shalt  }
0x4d: {  	_ =	shalt  }
0x4e: {  	_ =	shalt  }
0x4f: {  	_ =	shalt  }
0x50: {  	_ =	shalt  }
0x51: {  	_ =	shalt  }
0x52: {  	_ =	shalt  }
0x53: {  	_ =	shalt  }
0x54: {  	_ =	shalt  }
0x55: {  	_ =	shalt  }
0x56: {  	_ =	shalt  }
0x57: {  	_ =	shalt  }
0x58: {  	_ =	shalt  }
0x59: {  	_ =	shalt  }
0x5a: {  	_ =	shalt  }
0x5b: {  	_ =	shalt  }
0x5c: {  	_ =	shalt  }
0x5d: {  	_ =	shalt  }
0x5e: {  	_ =	shalt  }
0x5f: {  	_ =	shalt  }
0x60: {  	_ =	shalt  }
0x61: {  	_ =	shalt  }
0x62: {  	_ =	shalt  }
0x63: {  	_ =	shalt  }
0x64: {  	_ =	shalt  }
0x65: {  	_ =	shalt  }
0x66: {  	_ =	shalt  }
0x67: {  	_ =	shalt  }
0x68: {  	_ =	shalt  }
0x69: {  	_ =	shalt  }
0x6a: {  	_ =	shalt  }
0x6b: {  	_ =	shalt  }
0x6c: {  	_ =	shalt  }
0x6d: {  	_ =	shalt  }
0x6e: {  	_ =	shalt  }
0x6f: {  	_ =	shalt  }
0x70: {  	_ =	shalt  }
0x71: {  	_ =	shalt  }
0x72: {  	_ =	shalt  }
0x73: {  	_ =	shalt  }
0x74: {  	_ =	shalt  }
0x75: {  	_ =	shalt  }
0x76: {  	_ =	shalt  }
0x77: {  	_ =	shalt  }
0x78: {  	_ =	shalt  }
0x79: {  	_ =	shalt  }
0x7a: {  	_ =	shalt  }
0x7b: {  	_ =	shalt  }
0x7c: {  	_ =	shalt  }
0x7d: {  	_ =	shalt  }
0x7e: {  	_ =	shalt  }
0x7f: {  	_ =	shalt  }
0x80: {  	_ =	shalt  }
0x81: {  	_ =	shalt  }
0x82: {  	_ =	shalt  }
0x83: {  	_ =	shalt  }
0x84: {  	_ =	shalt  }
0x85: {  	_ =	shalt  }
0x86: {  	_ =	shalt  }
0x87: {  	_ =	shalt  }
.Lfunc_end0:
.L_simem_size_0:
called_computation.1_lowered:
.L_overlay_start_0:
0x88: {  	s2 =	sld [smem:$0x3FD9]  }
0x89: {  	s3 =	sld [smem:$0x3FFE];
	_ =	sdelay $0x1  }
0x8a: {  	s1 =	srdreg.scid  }
0x8b: {  	s0 =	sand.u32 $0x1, s1  }
0x8c: {  	s17 =	sshll.u32 s0, $0xA;
	s2 =	sadd.s32 s3, s2  }
0x8d: {  	s2 =	sadd.s32 s2, s17  }
0x8e: {  	[smem:$0x3FC2] =	sst s2  }
0x8f: {  	_ = 	snop  }
0x90: {  	s2 =	sld [smem:$0x3FD0];
	(tm) =	ssettm $0x1  }
0x91: {  	s18 =	sld [smem:$0x3FFB];
	_ =	sdelay $0x3  }
0x92: {  	_ =	strace s18  }
0x93: {  	s3 =	sld [smem:$0x3FFC];
	_ =	sdelay $0x3  }
0x94: {  	_ =	strace s3  }
0x95: {  	s3 =	sld [smem:$0x3FFD];
	_ =	sdelay $0x3  }
0x96: {  	_ =	strace s3  }
0x97: {  	_ =	strace $0x8FFFFFFF  }
0x98: {  	s19 =	sld [smem:$0x3FDB];
	_ =	sdelay $0x1  }
0x99: {  	s4 =	simm.s32 $_scs_section_size  }
0x9a: {  	s5 =	simm.s32 $_size__tile_overlayer_lowered;
	s6 =	simm.s32 $_tile_overlayer_lowered  }
0x9b: {  	s22 =	simm.s32 $0x1BFF;
	s21 =	sshll.u32 s6, $0x1;
	s3 =	sadd.s32 s4, s19  }
0x9c: {  	s7 =	simm.s32 $0x0;
	s20 =	sshll.u32 s5, $0x1;
	s5 =	sadd.s32 s21, s3  }
0x9d: {  	[timem:s7], [sflag:s22] =	dma.local [hbm:s5], s20  }
0x9e: {  	_ =	swait.ge [sflag:s22], s20  }
0x9f: {  	s4 =	ssub.s32 $0x0, s20;
	[sflag:s22] =	ssyncset.done $0x0  }
0xa0: {  	[sflag:s22] =	ssyncadd.s32 s4;
	_ =	sdelay $0x1  }
0xa1: {  	s23 =	simm.s32 $0x1B8B  }
0xa2: {  	_ =	swait.ge [sflag:s23], $0x1  }
0xa3: {  	[sflag:s23] =	ssyncset.done $0x0  }
0xa4: {  	s25 =	simm.s32 $0x1B8E;
	s24 =	sld [smem:$0x3FFE];
	[sflag:s23] =	ssyncadd.s32 $0xFFFFFFFF  }
0xa5: {  	s26 =	simm.s32 $execute0_lowered;
	[smem:$0x3FD2] =	sst s25  }
0xa6: {  	s5 =	sshll.u32 s26, $0x1;
	_ =	strace $0x80000049;
	[dreg:$0x1] =	wrdreg $0xFFFFFFFF  }
0xa7: {  	s28 =	simm.s32 $_size_execute0_lowered;
	s3 =	sadd.s32 s3, s5;
	[dreg:$0x0] =	wrdreg $0x0  }
0xa8: {  	s5 =	sshll.u32 s28, $0x1;
	[dreg:$0x2] =	wrdreg s3  }
0xa9: {  	[dreg:$0x3] =	wrdreg s5  }
0xaa: {  	[dreg:$0x4] =	wrdreg $0xC0  }
0xab: {  	_ =	task [dreg:s7], $0x5FFFF  }
0xac: {  	[dreg:$0x1] =	wrdreg $0xFFFFFFFF  }
0xad: {  	[dreg:$0x0] =	wrdreg $0x60  }
0xae: {  	[dreg:$0x2] =	wrdreg s24  }
0xaf: {  	[dreg:$0x3] =	wrdreg s2  }
0xb0: {  	[dreg:$0x4] =	wrdreg $0x90000  }
0xb1: {  	[dreg:$0x5] =	wrdreg $0x9  }
0xb2: {  	_ =	task.clear_ibuf [dreg:s7], $0x6FFFF;
	_ =	strace $0x90000049  }
0xb3: {  	s29 =	simm.s32 $0x9;
	_ =	strace $0x8000004B  }
0xb4: {  	_ =	swait.ge [sflag:s29], $0x1  }
0xb5: {  	[sflag:s29] =	ssyncadd.s32 $0xFFFFFFFF  }
0xb6: {  	_ =	strace $0x9000004B  }
0xb7: {  	_ =	sfence  }
0xb8: {  	s30 =	sld [smem:$0x0];
	_ =	sdelay $0x2  }
0xb9: {  	s31 =	sshll.u32 s1, $0xD;
	s1 =	sshrl.u32 s1, $0x2  }
0xba: {  	s3 =	sand.u32 $0x4000, s31;
	s1 =	sadd.s32 s1, s30  }
0xbb: {  	s0 =	sor.u32 s3, s0;
	s1 =	sshll.u32 s1, $0x11  }
0xbc: {  	s0 =	sor.u32 s1, s0  }
0xbd: {  	s0 =	sadd.s32 $0x8F2B, s0  }
0xbe: {  	[sflag:s0] =	ssyncadd.remote.s32 $0x1  }
0xbf: {  	_ =	sfence.sel $0xFFFF  }
0xc0: {  	[dreg:$0x0] =	wrdreg $0xFFFFFFFF;
	(pc) =	sbr.abs _section_cstart, $3  }
0xc1: {  	[dreg:$0x1] =	wrdreg $0xFFFFFFFF  }
0xc2: {  	_ =	task.clear_ibuf [dreg:s7], $0x2FFFF;
	_ =	strace $0x9FFFFFFF  }
0xc3: {  	(tm) =	ssettm $0x7FFFFFFF  }
tec
execute0_lowered:
.L_overlay_start_1:
0x0: {  	(tag) =	ssettag $0x1  }
0x1: {  	s1 =	srdreg.scid;
	s6 =	rddreg [dreg:$0x0]  }
0x2: {  	s0 =	stileid.u32;
	s8 =	rddreg [dreg:$0x1]  }
0x3: {  	s2 =	rddreg [dreg:$0x2];
	s3 =	simm.s32 $0x0;
	s14 =	simm.s32 $0x80  }
0x4: {  	s15 =	simm.s32 $0x5000;
	s16 =	simm.s32 $0x1;
	s17 =	simm.s32 $0x0  }
0x5: {  	s7 =	sand.u32 $0x1, s1;
	s29 =	sshll.u32 s0, $0x1;
	s10 =	smul.u32 $0x14000, s0  }
0x6: {  	[smem:$0x7FF] =	sst s3;
	s4 =	sadd.s32 $0x37000, s6;
	s12 =	smul.u32 $0x50000, s0  }
0x7: {  	s31 =	sshll.u32 s0, $0x6;
	s1 =	sor.u32 s7, s29;
	s5 =	smul.u32 $0x140000, s7  }
0x8: {  	s7 =	ssub.s32 $0x2, s7;
	s9 =	smul.u32 $0x500, s1;
	s1 =	rddreg [dreg:$0x3]  }
0x9: {  	_ =	strace $0x8000004A;
	s30 =	sshrl.u32 s7, $0x1;
	s12 =	sshrl.u32 s12, $0x2  }
0xa: {  	s10 =	sadd.s32 s10, s5;
	s5 =	sadd.s32 $0xC800, s6;
	s13 =	ssub.s32 s7, s30  }
0xb: {  	s12 =	sadd.s32 s12, s2;
	s11 =	sadd.s32 s9, s6;
	s10 =	sshrl.u32 s10, $0x3  }
0xc: {  	s7 =	sadd.s32 s8, s9;
	s10 =	sadd.s32 s10, s6;
	s6 =	sor.u32 $0x1C02, s31  }
0xd: {  	s8 =	sadd.s32 $0x2000, s11;
	s11 =	sshrl.u32 s12, $0x3;
	s12 =	simm.s32 $0x2  }
0xe: {  	s9 =	sadd.s32 $0x5F000, s10;
	s10 =	smax.u32 s13, $0x1;
	s13 =	simm.s32 $0x2800  }
.LBB2_1:
0xf: {  	[spmem:s11], [sflag:s6] =	dma.local [hbm:s5], $0x2800  }
0x10: {  	_ =	swait.ge [sflag:s12], $0x2800  }
0x11: {  	[sflag:s12] =	ssyncset.done $0x0  }
0x12: {  	[sflag:s12] =	ssyncadd.s32 $0xFFFFD800  }
0x13: {  	[tilespmem:s3], [sflag:$0x2] =	stream.linear.gather [hbm4b:s7+s3], $0x2780, $0x38;
	[tilespmem:$0x1D000] =	vst v63  }
0x14: {  	_ =	swait.ge [sflag:s12], $0x2780  }
0x15: {  	[sflag:s12] =	ssyncset.done $0x0  }
0x16: {  	[sflag:s12] =	ssyncadd.s32 $0xFFFFD880  }
0x17: {  	[tilespmem:s13], [sflag:$0x2] =	stream.linear.gather [hbm4b:s8+s3], $0x2780, $0x38;
	[tilespmem:$0x1D000] =	vst v63  }
0x18: {  	_ =	swait.ge [sflag:s12], $0x2780  }
0x19: {  	[sflag:s12] =	ssyncset.done $0x0  }
0x1a: {  	[sflag:s12] =	ssyncadd.s32 $0xFFFFD880  }
0x1b: {  	s18 =	simm.s32 $0x0;
	[bflag:$0x0] =	sbarrier.arrive $0xFFFF  }
0x1c: {  	[tilespmem:s15], [sflag:$0x1] =	stream.indirect.gather [hbm4b:s4+s14], $0x80, s18, s14, $0xb8;
	[tilespmem:$0x1D000] =	vst v63  }
0x1d: {  	_ =	swait.ge [sflag:s16], $0x4000  }
0x1e: {  	[sflag:s16] =	ssyncset.done $0x0  }
0x1f: {  	s31 =	simm.s32 $0x2800;
	[sflag:s16] =	ssyncadd.s32 $0xFFFFC000  }
0x20: {  	[spmem:s2] =	stream.indirect.scatter.add.f32 [tilespmem:s15], [sflag:$0x2], $0x80, s31, s14, $0xb8;
	[tilespmem:$0x1D000] =	vst v63  }
0x21: {  	_ =	swait.ge [sflag:s12], $0x4000  }
0x22: {  	s19 =	simm.s32 $0x400;
	s18 =	simm.s32 $0x200;
	[sflag:s12] =	ssyncset.done $0x0  }
.LBB2_2:
0x23: {  	s20 =	sshra.s32 s18, $0x2  }
0x24: {  	[sflag:s12] =	ssyncadd.s32 $0xFFFFC000;
	s18 =	smov.u32 s19;
	s21 =	sadd.s32 $0x200, s19  }
0x25: {  	[tilespmem:s15], [sflag:$0x1] =	stream.indirect.gather [hbm4b:s4+s14], $0x80, s20, s14, $0xb8;
	[tilespmem:$0x1D000] =	vst v63  }
0x26: {  	p0 =	sne.s32 s19, $0x9C00;
	_ =	swait.ge [sflag:s16], $0x4000  }
.Ltmp0:
0x27: {  	[sflag:s16] =	ssyncset.done $0x0;
	(pc) =	sbr.rel @p0 .LBB2_2-.Ltmp0, $4  }
0x28: {  	s19 =	sadd.s32 $0x2800, s20;
	[sflag:s16] =	ssyncadd.s32 $0xFFFFC000  }
0x29: {  	[spmem:s2] =	stream.indirect.scatter.add.f32 [tilespmem:s15], [sflag:$0x2], $0x80, s19, s14, $0xb8;
	[tilespmem:$0x1D000] =	vst v63  }
0x2a: {  	_ =	swait.ge [sflag:s12], $0x4000  }
0x2b: {  	s19 =	smov.u32 s21;
	[sflag:s12] =	ssyncset.done $0x0  }
0x2c: {  	s18 =	sshra.s32 s18, $0x2;
	[sflag:s12] =	ssyncadd.s32 $0xFFFFC000  }
0x2d: {  	[tilespmem:s15], [sflag:$0x1] =	stream.indirect.gather [hbm4b:s4+s14], $0x80, s18, s14, $0xb8;
	[tilespmem:$0x1D000] =	vst v63  }
0x2e: {  	_ =	swait.ge [sflag:s16], $0x4000  }
0x2f: {  	[sflag:s16] =	ssyncset.done $0x0  }
0x30: {  	s18 =	sadd.s32 $0x2800, s18;
	[sflag:s16] =	ssyncadd.s32 $0xFFFFC000  }
0x31: {  	[spmem:s2] =	stream.indirect.scatter.add.f32 [tilespmem:s15], [sflag:$0x2], $0x80, s18, s14, $0xb8;
	[tilespmem:$0x1D000] =	vst v63  }
0x32: {  	_ =	swait.ge [sflag:s12], $0x4000  }
0x33: {  	s17 =	sadd.s32 $0x1, s17;
	[sflag:s12] =	ssyncset.done $0x0  }
0x34: {  	p0 =	sne.s32 s17, s10;
	[sflag:s12] =	ssyncadd.s32 $0xFFFFC000  }
.Ltmp1:
0x35: {  	[bflag:$0x0] =	sbarrier.arrive $0xFFFF;
	(pc) =	sbr.rel @p0 .LBB2_1-.Ltmp1, $4  }
0x36: {  	[hbm:s9], [sflag:s6] =	dma.local [spmem:s11], $0x2800  }
0x37: {  	_ =	swait.ge [sflag:s12], $0x2800  }
0x38: {  	[sflag:s12] =	ssyncset.done $0x0  }
0x39: {  	[sflag:s12] =	ssyncadd.s32 $0xFFFFD800  }
0x3a: {  	_ =	sfence.sel $0x180000  }
0x3b: {  	[bflag:$0x0] =	sbarrier.arrive $0xFFFF  }
0x3c: {  	p0 =	sne.s32 s0, $0x0;
	_ =	strace $0x9000004A  }
0x3d: {  	s0 =	sadd.s32 @!p0 $0x100000, s1;
	[bflag:$0x2] =	sbarrier.arrive $0xFFFF  }
0x3e: {  	[sflag:s0] =	ssyncadd.tile.s32 @!p0 $0x1;
	_ =	shalt  }
.Lfunc_end2:
_tile_overlayer_lowered:
.L_overlay_start_2:
0x3f: {  	(tag) =	ssettag $0x2  }
0x40: {  	s0 =	rddreg [dreg:$0x0];
	s2 =	stileid.u32  }
0x41: {  	s1 =	rddreg [dreg:$0x1];
	p0 =	sne.s32 s2, $0x0  }
0x42: {  	s3 =	rddreg [dreg:$0x2];
	[bflag:$0x3] =	sbarrier.arrive $0xFFFF;
	s2 =	simm.s32 @!p0 $0x1C02  }
0x43: {  	[timem:s3], [sflag:s2] =	dma.local @!p0 [hbm:s0], s1  }
0x44: {  	s0 =	simm.s32 @!p0 $0x2  }
0x45: {  	_ =	swait.ge @!p0 [sflag:s0], s1  }
0x46: {  	s1 =	ssub.s32 @!p0 $0x0, s1;
	[sflag:s0] =	ssyncset.done @!p0 $0x0  }
0x47: {  	[sflag:s0] =	ssyncadd.s32 @!p0 s1  }
0x48: {  	[bflag:$0x3] =	sbarrier.arrive $0xFFFF  }
0x49: {  	_ =	shalt  }

// kernel: kernel.14.cloned.1.call-start
scs
__scs_entry_jumppad:
0x0: {  	(pc) =	sbr.rel $0x88, $3  }
0x1: {  	(tag) =	ssettag $0x0;
	lr =	simm.s32 $0x1  }
0x2: {  	[smem:$0x3F9B] =	sst lr;
	_ =	strace $0xD0000000  }
0x3: {  	_ = 	snop  }
0x4: {  	_ = 	snop  }
0x5: {  	_ = 	snop  }
0x6: {  	_ = 	snop  }
0x7: {  	_ = 	snop  }
__scs_overlays_trampoline_lowered:
0x8: {  	[smem:$0x3FAA] =	sst s0  }
0x9: {  	[smem:$0x3FAB] =	sst s1  }
0xa: {  	[smem:$0x3FAC] =	sst s2  }
0xb: {  	[smem:$0x3FAD] =	sst s3  }
0xc: {  	[smem:$0x3FAE] =	sst s4  }
0xd: {  	[smem:$0x3FAF] =	sst s5  }
0xe: {  	[smem:$0x3FB0] =	sst s6  }
0xf: {  	[smem:$0x3FB1] =	sst s7  }
0x10: {  	[smem:$0x3FB2] =	sst s8  }
0x11: {  	[smem:$0x3FB3] =	sst s9;
	s0 =	simm.s32 @!p0 $0x0  }
0x12: {  	s1 =	sld [smem:$0x3F99];
	s0 =	simm.s32 @p0 $0x1  }
0x13: {  	[smem:$0x3FB4] =	sst s0;
	s0 =	simm.s32 @!p1 $0x0  }
0x14: {  	s2 =	sld [smem:$0x3F98];
	s0 =	simm.s32 @p1 $0x1  }
0x15: {  	[smem:$0x3FB5] =	sst s0;
	s0 =	simm.s32 @!p2 $0x0  }
0x16: {  	s3 =	sld [smem:$0x3FDB];
	s0 =	simm.s32 @p2 $0x1  }
0x17: {  	s4 =	simm.s32 $0x1BF5;
	[smem:$0x3FB7] =	sst s0  }
0x18: {  	s0 =	sld [smem:$0x3F9A];
	_ =	swait.ge [sflag:s4], $0x0  }
0x19: {  	s7 =	sld [smem:$0x3F9B]  }
0x1a: {  	s8 =	sadd.s32 $0xFFFFE003, lr  }
0x1b: {  	s9 =	sadd.s32 $0xFFFFFEF7, lr;
	s5 =	simm.s32 $0xFFFFFFFF;
	p2 =	slt.u32 s8, $0xFFFFF086  }
0x1c: {  	p1 =	slt.u32 s9, $0xF7A;
	s5 =	simm.s32 @!p2 $0x0  }
0x1d: {  	s5 =	simm.s32 @p1 $0x1;
	p0 =	seq.s32 s7, s2  }
0x1e: {  	s7 =	smul.u32 @!p0 $0xF7A, s2;
	p2 =	seq.s32 @!p0 s5, $0x0  }
0x1f: {  	s9 =	smul.u32 $0xF7A, s1;
	s8 =	simm.s32 @!p0 $0x1BF5;
	p2 =	por !p2, p0  }
0x20: {  	[sflag:s8] =	ssyncset.s32 @!p0 $0xFFFFF086;
	s6 =	sadd.s32 @!p0 s3, s7;
	s7 =	simm.s32 @!p0 $0x108  }
0x21: {  	s3 =	sadd.s32 s3, s9;
	s6 =	sadd.s32 @!p0 $0x88, s6;
	s7 =	simm.s32 @p2 $0x1082  }
0x22: {  	[simem:s7], [sflag:s8] =	dma.local @!p0 [hbm:s6], $0xF7A  }
0x23: {  	s9 =	sor.u32 $0xD0000000, s2;
	s6 =	simm.s32 $0x108;
	_ =	swait.ge @!p0 [sflag:s8], $0x0  }
0x24: {  	s3 =	sadd.s32 $0x88, s3;
	s6 =	simm.s32 @!p1 $0x1082;
	[sflag:s4] =	ssyncset.s32 $0xFFFFF086  }
0x25: {  	[simem:s6], [sflag:s4] =	dma.local [hbm:s3], $0xF7A  }
0x26: {  	[smem:$0x3F9B] =	sst s1;
	(tag) =	ssettag s2;
	_ =	strace s9  }
0x27: {  	s1 =	sld [smem:$0x3FAB]  }
0x28: {  	s2 =	sld [smem:$0x3FAC]  }
0x29: {  	s4 =	sld [smem:$0x3FAE]  }
0x2a: {  	p0 =	seq.s32 s5, $0x0;
	s5 =	sld [smem:$0x3FAF]  }
0x2b: {  	s6 =	sld [smem:$0x3FB0]  }
0x2c: {  	s7 =	sld [smem:$0x3FB1]  }
0x2d: {  	s3 =	simm.s32 $0x108;
	s8 =	sld [smem:$0x3FB2]  }
0x2e: {  	s3 =	simm.s32 @!p0 $0x1082;
	s9 =	sld [smem:$0x3FB3]  }
0x2f: {  	lr =	sadd.s32 s0, s3;
	s0 =	sld [smem:$0x3FAA]  }
0x30: {  	s3 =	sld [smem:$0x3FAD]  }
0x31: {  	[smem:$0x3FB6] =	sst s10  }
0x32: {  	s10 =	sld [smem:$0x3FB4];
	_ =	sdelay $0x3  }
0x33: {  	p0 =	seq.s32 s10, $0x1;
	s10 =	sld [smem:$0x3FB6];
	_ =	sdelay $0x3  }
0x34: {  	[smem:$0x3FB6] =	sst s10  }
0x35: {  	s10 =	sld [smem:$0x3FB5];
	_ =	sdelay $0x3  }
0x36: {  	p1 =	seq.s32 s10, $0x1;
	s10 =	sld [smem:$0x3FB6];
	_ =	sdelay $0x3  }
0x37: {  	[smem:$0x3FB6] =	sst s10  }
0x38: {  	s10 =	sld [smem:$0x3FB7]  }
0x39: {  	_ = 	snop;
	(pc) =	sbr.ind lr, $3  }
0x3a: {  	_ = 	snop  }
0x3b: {  	_ = 	snop  }
0x3c: {  	p2 =	seq.s32 s10, $0x1;
	s10 =	sld [smem:$0x3FB6]  }
0x3d: {  	_ =	shalt  }
0x3e: {  	_ =	shalt  }
0x3f: {  	_ =	shalt  }
0x40: {  	_ =	shalt  }
0x41: {  	_ =	shalt  }
0x42: {  	_ =	shalt  }
0x43: {  	_ =	shalt  }
0x44: {  	_ =	shalt  }
0x45: {  	_ =	shalt  }
0x46: {  	_ =	shalt  }
0x47: {  	_ =	shalt  }
0x48: {  	_ =	shalt  }
0x49: {  	_ =	shalt  }
0x4a: {  	_ =	shalt  }
0x4b: {  	_ =	shalt  }
0x4c: {  	_ =	shalt  }
0x4d: {  	_ =	shalt  }
0x4e: {  	_ =	shalt  }
0x4f: {  	_ =	shalt  }
0x50: {  	_ =	shalt  }
0x51: {  	_ =	shalt  }
0x52: {  	_ =	shalt  }
0x53: {  	_ =	shalt  }
0x54: {  	_ =	shalt  }
0x55: {  	_ =	shalt  }
0x56: {  	_ =	shalt  }
0x57: {  	_ =	shalt  }
0x58: {  	_ =	shalt  }
0x59: {  	_ =	shalt  }
0x5a: {  	_ =	shalt  }
0x5b: {  	_ =	shalt  }
0x5c: {  	_ =	shalt  }
0x5d: {  	_ =	shalt  }
0x5e: {  	_ =	shalt  }
0x5f: {  	_ =	shalt  }
0x60: {  	_ =	shalt  }
0x61: {  	_ =	shalt  }
0x62: {  	_ =	shalt  }
0x63: {  	_ =	shalt  }
0x64: {  	_ =	shalt  }
0x65: {  	_ =	shalt  }
0x66: {  	_ =	shalt  }
0x67: {  	_ =	shalt  }
0x68: {  	_ =	shalt  }
0x69: {  	_ =	shalt  }
0x6a: {  	_ =	shalt  }
0x6b: {  	_ =	shalt  }
0x6c: {  	_ =	shalt  }
0x6d: {  	_ =	shalt  }
0x6e: {  	_ =	shalt  }
0x6f: {  	_ =	shalt  }
0x70: {  	_ =	shalt  }
0x71: {  	_ =	shalt  }
0x72: {  	_ =	shalt  }
0x73: {  	_ =	shalt  }
0x74: {  	_ =	shalt  }
0x75: {  	_ =	shalt  }
0x76: {  	_ =	shalt  }
0x77: {  	_ =	shalt  }
0x78: {  	_ =	shalt  }
0x79: {  	_ =	shalt  }
0x7a: {  	_ =	shalt  }
0x7b: {  	_ =	shalt  }
0x7c: {  	_ =	shalt  }
0x7d: {  	_ =	shalt  }
0x7e: {  	_ =	shalt  }
0x7f: {  	_ =	shalt  }
0x80: {  	_ =	shalt  }
0x81: {  	_ =	shalt  }
0x82: {  	_ =	shalt  }
0x83: {  	_ =	shalt  }
0x84: {  	_ =	shalt  }
0x85: {  	_ =	shalt  }
0x86: {  	_ =	shalt  }
0x87: {  	_ =	shalt  }
.Lfunc_end0:
.L_simem_size_0:
called_computation.2_lowered:
.L_overlay_start_0:
0x88: {  	s2 =	sld [smem:$0x3FD9]  }
0x89: {  	s3 =	sld [smem:$0x3FFE];
	_ =	sdelay $0x1  }
0x8a: {  	s1 =	srdreg.scid  }
0x8b: {  	s0 =	sand.u32 $0x1, s1  }
0x8c: {  	s17 =	sshll.u32 s0, $0xA;
	s2 =	sadd.s32 s3, s2  }
0x8d: {  	s2 =	sadd.s32 s2, s17  }
0x8e: {  	[smem:$0x3FC2] =	sst s2  }
0x8f: {  	_ = 	snop  }
0x90: {  	s2 =	sld [smem:$0x3FD0];
	(tm) =	ssettm $0x1  }
0x91: {  	s18 =	sld [smem:$0x3FFB];
	_ =	sdelay $0x3  }
0x92: {  	_ =	strace s18  }
0x93: {  	s3 =	sld [smem:$0x3FFC];
	_ =	sdelay $0x3  }
0x94: {  	_ =	strace s3  }
0x95: {  	s3 =	sld [smem:$0x3FFD];
	_ =	sdelay $0x3  }
0x96: {  	_ =	strace s3  }
0x97: {  	_ =	strace $0x8FFFFFFF  }
0x98: {  	s19 =	sld [smem:$0x3FDB];
	_ =	sdelay $0x1  }
0x99: {  	s4 =	simm.s32 $_scs_section_size  }
0x9a: {  	s5 =	simm.s32 $_size__tile_overlayer_lowered;
	s6 =	simm.s32 $_tile_overlayer_lowered  }
0x9b: {  	s22 =	simm.s32 $0x1BFF;
	s21 =	sshll.u32 s6, $0x1;
	s3 =	sadd.s32 s4, s19  }
0x9c: {  	s7 =	simm.s32 $0x0;
	s20 =	sshll.u32 s5, $0x1;
	s5 =	sadd.s32 s21, s3  }
0x9d: {  	[timem:s7], [sflag:s22] =	dma.local [hbm:s5], s20  }
0x9e: {  	_ =	swait.ge [sflag:s22], s20  }
0x9f: {  	s4 =	ssub.s32 $0x0, s20;
	[sflag:s22] =	ssyncset.done $0x0  }
0xa0: {  	[sflag:s22] =	ssyncadd.s32 s4;
	_ =	sdelay $0x1  }
0xa1: {  	s23 =	simm.s32 $0x1B8B  }
0xa2: {  	_ =	swait.ge [sflag:s23], $0x1  }
0xa3: {  	[sflag:s23] =	ssyncset.done $0x0  }
0xa4: {  	s25 =	simm.s32 $0x1B8E;
	s24 =	sld [smem:$0x3FFE];
	[sflag:s23] =	ssyncadd.s32 $0xFFFFFFFF  }
0xa5: {  	s26 =	simm.s32 $execute0_lowered;
	[smem:$0x3FD2] =	sst s25  }
0xa6: {  	s5 =	sshll.u32 s26, $0x1;
	_ =	strace $0x8000004C;
	[dreg:$0x1] =	wrdreg $0xFFFFFFFF  }
0xa7: {  	s28 =	simm.s32 $_size_execute0_lowered;
	s3 =	sadd.s32 s3, s5;
	[dreg:$0x0] =	wrdreg $0x0  }
0xa8: {  	s5 =	sshll.u32 s28, $0x1;
	[dreg:$0x2] =	wrdreg s3  }
0xa9: {  	[dreg:$0x3] =	wrdreg s5  }
0xaa: {  	[dreg:$0x4] =	wrdreg $0xC0  }
0xab: {  	_ =	task [dreg:s7], $0x5FFFF  }
0xac: {  	[dreg:$0x1] =	wrdreg $0xFFFFFFFF  }
0xad: {  	[dreg:$0x0] =	wrdreg $0x60  }
0xae: {  	[dreg:$0x2] =	wrdreg s24  }
0xaf: {  	[dreg:$0x3] =	wrdreg s2  }
0xb0: {  	[dreg:$0x4] =	wrdreg $0x90000  }
0xb1: {  	[dreg:$0x5] =	wrdreg $0x9  }
0xb2: {  	_ =	task.clear_ibuf [dreg:s7], $0x6FFFF;
	_ =	strace $0x9000004C  }
0xb3: {  	s29 =	simm.s32 $0x9;
	_ =	strace $0x8000004E  }
0xb4: {  	_ =	swait.ge [sflag:s29], $0x1  }
0xb5: {  	[sflag:s29] =	ssyncadd.s32 $0xFFFFFFFF  }
0xb6: {  	_ =	strace $0x9000004E  }
0xb7: {  	_ =	sfence  }
0xb8: {  	s30 =	sld [smem:$0x0];
	_ =	sdelay $0x2  }
0xb9: {  	s31 =	sshll.u32 s1, $0xD;
	s1 =	sshrl.u32 s1, $0x2  }
0xba: {  	s3 =	sand.u32 $0x4000, s31;
	s1 =	sadd.s32 s1, s30  }
0xbb: {  	s0 =	sor.u32 s3, s0;
	s1 =	sshll.u32 s1, $0x11  }
0xbc: {  	s0 =	sor.u32 s1, s0  }
0xbd: {  	s0 =	sadd.s32 $0x8F2B, s0  }
0xbe: {  	[sflag:s0] =	ssyncadd.remote.s32 $0x1  }
0xbf: {  	_ =	sfence.sel $0xFFFF  }
0xc0: {  	[dreg:$0x0] =	wrdreg $0xFFFFFFFF;
	(pc) =	sbr.abs _section_cstart, $3  }
0xc1: {  	[dreg:$0x1] =	wrdreg $0xFFFFFFFF  }
0xc2: {  	_ =	task.clear_ibuf [dreg:s7], $0x2FFFF;
	_ =	strace $0x9FFFFFFF  }
0xc3: {  	(tm) =	ssettm $0x7FFFFFFF  }
tec
execute0_lowered:
.L_overlay_start_1:
0x0: {  	(tag) =	ssettag $0x1  }
0x1: {  	s1 =	srdreg.scid;
	s6 =	rddreg [dreg:$0x0]  }
0x2: {  	s0 =	stileid.u32;
	s8 =	rddreg [dreg:$0x1]  }
0x3: {  	s2 =	rddreg [dreg:$0x2];
	s3 =	simm.s32 $0x0;
	s14 =	simm.s32 $0x80  }
0x4: {  	s15 =	simm.s32 $0x5000;
	s16 =	simm.s32 $0x1;
	s17 =	simm.s32 $0x0  }
0x5: {  	s7 =	sand.u32 $0x1, s1;
	s29 =	sshll.u32 s0, $0x1;
	s10 =	smul.u32 $0x14000, s0  }
0x6: {  	[smem:$0x7FF] =	sst s3;
	s4 =	sadd.s32 $0xF000, s6;
	s12 =	smul.u32 $0x50000, s0  }
0x7: {  	s31 =	sshll.u32 s0, $0x6;
	s1 =	sor.u32 s7, s29;
	s5 =	smul.u32 $0x140000, s7  }
0x8: {  	s7 =	ssub.s32 $0x2, s7;
	s9 =	smul.u32 $0x500, s1;
	s1 =	rddreg [dreg:$0x3]  }
0x9: {  	_ =	strace $0x8000004D;
	s30 =	sshrl.u32 s7, $0x1;
	s12 =	sshrl.u32 s12, $0x2  }
0xa: {  	s10 =	sadd.s32 s10, s5;
	s5 =	sadd.s32 $0xC800, s6;
	s13 =	ssub.s32 s7, s30  }
0xb: {  	s12 =	sadd.s32 s12, s2;
	s11 =	sadd.s32 s9, s6;
	s10 =	sshrl.u32 s10, $0x3  }
0xc: {  	s7 =	sadd.s32 s8, s9;
	s10 =	sadd.s32 s10, s6;
	s6 =	sor.u32 $0x1C02, s31  }
0xd: {  	s8 =	sadd.s32 $0x2000, s11;
	s11 =	sshrl.u32 s12, $0x3;
	s12 =	simm.s32 $0x2  }
0xe: {  	s9 =	sadd.s32 $0x37000, s10;
	s10 =	smax.u32 s13, $0x1;
	s13 =	simm.s32 $0x2800  }
.LBB2_1:
0xf: {  	[spmem:s11], [sflag:s6] =	dma.local [hbm:s5], $0x2800  }
0x10: {  	_ =	swait.ge [sflag:s12], $0x2800  }
0x11: {  	[sflag:s12] =	ssyncset.done $0x0  }
0x12: {  	[sflag:s12] =	ssyncadd.s32 $0xFFFFD800  }
0x13: {  	[tilespmem:s3], [sflag:$0x2] =	stream.linear.gather [hbm4b:s7+s3], $0x2780, $0x38;
	[tilespmem:$0x1D000] =	vst v63  }
0x14: {  	_ =	swait.ge [sflag:s12], $0x2780  }
0x15: {  	[sflag:s12] =	ssyncset.done $0x0  }
0x16: {  	[sflag:s12] =	ssyncadd.s32 $0xFFFFD880  }
0x17: {  	[tilespmem:s13], [sflag:$0x2] =	stream.linear.gather [hbm4b:s8+s3], $0x2780, $0x38;
	[tilespmem:$0x1D000] =	vst v63  }
0x18: {  	_ =	swait.ge [sflag:s12], $0x2780  }
0x19: {  	[sflag:s12] =	ssyncset.done $0x0  }
0x1a: {  	[sflag:s12] =	ssyncadd.s32 $0xFFFFD880  }
0x1b: {  	s18 =	simm.s32 $0x0;
	[bflag:$0x0] =	sbarrier.arrive $0xFFFF  }
0x1c: {  	[tilespmem:s15], [sflag:$0x1] =	stream.indirect.gather [hbm4b:s4+s14], $0x80, s18, s14, $0xb8;
	[tilespmem:$0x1D000] =	vst v63  }
0x1d: {  	_ =	swait.ge [sflag:s16], $0x4000  }
0x1e: {  	[sflag:s16] =	ssyncset.done $0x0  }
0x1f: {  	s31 =	simm.s32 $0x2800;
	[sflag:s16] =	ssyncadd.s32 $0xFFFFC000  }
0x20: {  	[spmem:s2] =	stream.indirect.scatter.add.f32 [tilespmem:s15], [sflag:$0x2], $0x80, s31, s14, $0xb8;
	[tilespmem:$0x1D000] =	vst v63  }
0x21: {  	_ =	swait.ge [sflag:s12], $0x4000  }
0x22: {  	s19 =	simm.s32 $0x400;
	s18 =	simm.s32 $0x200;
	[sflag:s12] =	ssyncset.done $0x0  }
.LBB2_2:
0x23: {  	s20 =	sshra.s32 s18, $0x2  }
0x24: {  	[sflag:s12] =	ssyncadd.s32 $0xFFFFC000;
	s18 =	smov.u32 s19;
	s21 =	sadd.s32 $0x200, s19  }
0x25: {  	[tilespmem:s15], [sflag:$0x1] =	stream.indirect.gather [hbm4b:s4+s14], $0x80, s20, s14, $0xb8;
	[tilespmem:$0x1D000] =	vst v63  }
0x26: {  	p0 =	sne.s32 s19, $0x9C00;
	_ =	swait.ge [sflag:s16], $0x4000  }
.Ltmp0:
0x27: {  	[sflag:s16] =	ssyncset.done $0x0;
	(pc) =	sbr.rel @p0 .LBB2_2-.Ltmp0, $4  }
0x28: {  	s19 =	sadd.s32 $0x2800, s20;
	[sflag:s16] =	ssyncadd.s32 $0xFFFFC000  }
0x29: {  	[spmem:s2] =	stream.indirect.scatter.add.f32 [tilespmem:s15], [sflag:$0x2], $0x80, s19, s14, $0xb8;
	[tilespmem:$0x1D000] =	vst v63  }
0x2a: {  	_ =	swait.ge [sflag:s12], $0x4000  }
0x2b: {  	s19 =	smov.u32 s21;
	[sflag:s12] =	ssyncset.done $0x0  }
0x2c: {  	s18 =	sshra.s32 s18, $0x2;
	[sflag:s12] =	ssyncadd.s32 $0xFFFFC000  }
0x2d: {  	[tilespmem:s15], [sflag:$0x1] =	stream.indirect.gather [hbm4b:s4+s14], $0x80, s18, s14, $0xb8;
	[tilespmem:$0x1D000] =	vst v63  }
0x2e: {  	_ =	swait.ge [sflag:s16], $0x4000  }
0x2f: {  	[sflag:s16] =	ssyncset.done $0x0  }
0x30: {  	s18 =	sadd.s32 $0x2800, s18;
	[sflag:s16] =	ssyncadd.s32 $0xFFFFC000  }
0x31: {  	[spmem:s2] =	stream.indirect.scatter.add.f32 [tilespmem:s15], [sflag:$0x2], $0x80, s18, s14, $0xb8;
	[tilespmem:$0x1D000] =	vst v63  }
0x32: {  	_ =	swait.ge [sflag:s12], $0x4000  }
0x33: {  	s17 =	sadd.s32 $0x1, s17;
	[sflag:s12] =	ssyncset.done $0x0  }
0x34: {  	p0 =	sne.s32 s17, s10;
	[sflag:s12] =	ssyncadd.s32 $0xFFFFC000  }
.Ltmp1:
0x35: {  	[bflag:$0x0] =	sbarrier.arrive $0xFFFF;
	(pc) =	sbr.rel @p0 .LBB2_1-.Ltmp1, $4  }
0x36: {  	[hbm:s9], [sflag:s6] =	dma.local [spmem:s11], $0x2800  }
0x37: {  	_ =	swait.ge [sflag:s12], $0x2800  }
0x38: {  	[sflag:s12] =	ssyncset.done $0x0  }
0x39: {  	[sflag:s12] =	ssyncadd.s32 $0xFFFFD800  }
0x3a: {  	_ =	sfence.sel $0x180000  }
0x3b: {  	[bflag:$0x0] =	sbarrier.arrive $0xFFFF  }
0x3c: {  	p0 =	sne.s32 s0, $0x0;
	_ =	strace $0x9000004D  }
0x3d: {  	s0 =	sadd.s32 @!p0 $0x100000, s1;
	[bflag:$0x2] =	sbarrier.arrive $0xFFFF  }
0x3e: {  	[sflag:s0] =	ssyncadd.tile.s32 @!p0 $0x1;
	_ =	shalt  }
.Lfunc_end2:
_tile_overlayer_lowered:
.L_overlay_start_2:
0x3f: {  	(tag) =	ssettag $0x2  }
0x40: {  	s0 =	rddreg [dreg:$0x0];
	s2 =	stileid.u32  }
0x41: {  	s1 =	rddreg [dreg:$0x1];
	p0 =	sne.s32 s2, $0x0  }
0x42: {  	s3 =	rddreg [dreg:$0x2];
	[bflag:$0x3] =	sbarrier.arrive $0xFFFF;
	s2 =	simm.s32 @!p0 $0x1C02  }
0x43: {  	[timem:s3], [sflag:s2] =	dma.local @!p0 [hbm:s0], s1  }
0x44: {  	s0 =	simm.s32 @!p0 $0x2  }
0x45: {  	_ =	swait.ge @!p0 [sflag:s0], s1  }
0x46: {  	s1 =	ssub.s32 @!p0 $0x0, s1;
	[sflag:s0] =	ssyncset.done @!p0 $0x0  }
0x47: {  	[sflag:s0] =	ssyncadd.s32 @!p0 s1  }
0x48: {  	[bflag:$0x3] =	sbarrier.arrive $0xFFFF  }
0x49: {  	_ =	shalt  }

// kernel: kernel.8.cloned.1.call-start
scs
__scs_entry_jumppad:
0x0: {  	(pc) =	sbr.rel $0x88, $3  }
0x1: {  	(tag) =	ssettag $0x0;
	lr =	simm.s32 $0x1  }
0x2: {  	[smem:$0x3F9B] =	sst lr;
	_ =	strace $0xD0000000  }
0x3: {  	_ = 	snop  }
0x4: {  	_ = 	snop  }
0x5: {  	_ = 	snop  }
0x6: {  	_ = 	snop  }
0x7: {  	_ = 	snop  }
__scs_overlays_trampoline_lowered:
0x8: {  	[smem:$0x3FAA] =	sst s0  }
0x9: {  	[smem:$0x3FAB] =	sst s1  }
0xa: {  	[smem:$0x3FAC] =	sst s2  }
0xb: {  	[smem:$0x3FAD] =	sst s3  }
0xc: {  	[smem:$0x3FAE] =	sst s4  }
0xd: {  	[smem:$0x3FAF] =	sst s5  }
0xe: {  	[smem:$0x3FB0] =	sst s6  }
0xf: {  	[smem:$0x3FB1] =	sst s7  }
0x10: {  	[smem:$0x3FB2] =	sst s8  }
0x11: {  	[smem:$0x3FB3] =	sst s9;
	s0 =	simm.s32 @!p0 $0x0  }
0x12: {  	s1 =	sld [smem:$0x3F99];
	s0 =	simm.s32 @p0 $0x1  }
0x13: {  	[smem:$0x3FB4] =	sst s0;
	s0 =	simm.s32 @!p1 $0x0  }
0x14: {  	s2 =	sld [smem:$0x3F98];
	s0 =	simm.s32 @p1 $0x1  }
0x15: {  	[smem:$0x3FB5] =	sst s0;
	s0 =	simm.s32 @!p2 $0x0  }
0x16: {  	s3 =	sld [smem:$0x3FDB];
	s0 =	simm.s32 @p2 $0x1  }
0x17: {  	s4 =	simm.s32 $0x1BF5;
	[smem:$0x3FB7] =	sst s0  }
0x18: {  	s0 =	sld [smem:$0x3F9A];
	_ =	swait.ge [sflag:s4], $0x0  }
0x19: {  	s7 =	sld [smem:$0x3F9B]  }
0x1a: {  	s8 =	sadd.s32 $0xFFFFE003, lr  }
0x1b: {  	s9 =	sadd.s32 $0xFFFFFEF7, lr;
	s5 =	simm.s32 $0xFFFFFFFF;
	p2 =	slt.u32 s8, $0xFFFFF086  }
0x1c: {  	p1 =	slt.u32 s9, $0xF7A;
	s5 =	simm.s32 @!p2 $0x0  }
0x1d: {  	s5 =	simm.s32 @p1 $0x1;
	p0 =	seq.s32 s7, s2  }
0x1e: {  	s7 =	smul.u32 @!p0 $0xF7A, s2;
	p2 =	seq.s32 @!p0 s5, $0x0  }
0x1f: {  	s9 =	smul.u32 $0xF7A, s1;
	s8 =	simm.s32 @!p0 $0x1BF5;
	p2 =	por !p2, p0  }
0x20: {  	[sflag:s8] =	ssyncset.s32 @!p0 $0xFFFFF086;
	s6 =	sadd.s32 @!p0 s3, s7;
	s7 =	simm.s32 @!p0 $0x108  }
0x21: {  	s3 =	sadd.s32 s3, s9;
	s6 =	sadd.s32 @!p0 $0x88, s6;
	s7 =	simm.s32 @p2 $0x1082  }
0x22: {  	[simem:s7], [sflag:s8] =	dma.local @!p0 [hbm:s6], $0xF7A  }
0x23: {  	s9 =	sor.u32 $0xD0000000, s2;
	s6 =	simm.s32 $0x108;
	_ =	swait.ge @!p0 [sflag:s8], $0x0  }
0x24: {  	s3 =	sadd.s32 $0x88, s3;
	s6 =	simm.s32 @!p1 $0x1082;
	[sflag:s4] =	ssyncset.s32 $0xFFFFF086  }
0x25: {  	[simem:s6], [sflag:s4] =	dma.local [hbm:s3], $0xF7A  }
0x26: {  	[smem:$0x3F9B] =	sst s1;
	(tag) =	ssettag s2;
	_ =	strace s9  }
0x27: {  	s1 =	sld [smem:$0x3FAB]  }
0x28: {  	s2 =	sld [smem:$0x3FAC]  }
0x29: {  	s4 =	sld [smem:$0x3FAE]  }
0x2a: {  	p0 =	seq.s32 s5, $0x0;
	s5 =	sld [smem:$0x3FAF]  }
0x2b: {  	s6 =	sld [smem:$0x3FB0]  }
0x2c: {  	s7 =	sld [smem:$0x3FB1]  }
0x2d: {  	s3 =	simm.s32 $0x108;
	s8 =	sld [smem:$0x3FB2]  }
0x2e: {  	s3 =	simm.s32 @!p0 $0x1082;
	s9 =	sld [smem:$0x3FB3]  }
0x2f: {  	lr =	sadd.s32 s0, s3;
	s0 =	sld [smem:$0x3FAA]  }
0x30: {  	s3 =	sld [smem:$0x3FAD]  }
0x31: {  	[smem:$0x3FB6] =	sst s10  }
0x32: {  	s10 =	sld [smem:$0x3FB4];
	_ =	sdelay $0x3  }
0x33: {  	p0 =	seq.s32 s10, $0x1;
	s10 =	sld [smem:$0x3FB6];
	_ =	sdelay $0x3  }
0x34: {  	[smem:$0x3FB6] =	sst s10  }
0x35: {  	s10 =	sld [smem:$0x3FB5];
	_ =	sdelay $0x3  }
0x36: {  	p1 =	seq.s32 s10, $0x1;
	s10 =	sld [smem:$0x3FB6];
	_ =	sdelay $0x3  }
0x37: {  	[smem:$0x3FB6] =	sst s10  }
0x38: {  	s10 =	sld [smem:$0x3FB7]  }
0x39: {  	_ = 	snop;
	(pc) =	sbr.ind lr, $3  }
0x3a: {  	_ = 	snop  }
0x3b: {  	_ = 	snop  }
0x3c: {  	p2 =	seq.s32 s10, $0x1;
	s10 =	sld [smem:$0x3FB6]  }
0x3d: {  	_ =	shalt  }
0x3e: {  	_ =	shalt  }
0x3f: {  	_ =	shalt  }
0x40: {  	_ =	shalt  }
0x41: {  	_ =	shalt  }
0x42: {  	_ =	shalt  }
0x43: {  	_ =	shalt  }
0x44: {  	_ =	shalt  }
0x45: {  	_ =	shalt  }
0x46: {  	_ =	shalt  }
0x47: {  	_ =	shalt  }
0x48: {  	_ =	shalt  }
0x49: {  	_ =	shalt  }
0x4a: {  	_ =	shalt  }
0x4b: {  	_ =	shalt  }
0x4c: {  	_ =	shalt  }
0x4d: {  	_ =	shalt  }
0x4e: {  	_ =	shalt  }
0x4f: {  	_ =	shalt  }
0x50: {  	_ =	shalt  }
0x51: {  	_ =	shalt  }
0x52: {  	_ =	shalt  }
0x53: {  	_ =	shalt  }
0x54: {  	_ =	shalt  }
0x55: {  	_ =	shalt  }
0x56: {  	_ =	shalt  }
0x57: {  	_ =	shalt  }
0x58: {  	_ =	shalt  }
0x59: {  	_ =	shalt  }
0x5a: {  	_ =	shalt  }
0x5b: {  	_ =	shalt  }
0x5c: {  	_ =	shalt  }
0x5d: {  	_ =	shalt  }
0x5e: {  	_ =	shalt  }
0x5f: {  	_ =	shalt  }
0x60: {  	_ =	shalt  }
0x61: {  	_ =	shalt  }
0x62: {  	_ =	shalt  }
0x63: {  	_ =	shalt  }
0x64: {  	_ =	shalt  }
0x65: {  	_ =	shalt  }
0x66: {  	_ =	shalt  }
0x67: {  	_ =	shalt  }
0x68: {  	_ =	shalt  }
0x69: {  	_ =	shalt  }
0x6a: {  	_ =	shalt  }
0x6b: {  	_ =	shalt  }
0x6c: {  	_ =	shalt  }
0x6d: {  	_ =	shalt  }
0x6e: {  	_ =	shalt  }
0x6f: {  	_ =	shalt  }
0x70: {  	_ =	shalt  }
0x71: {  	_ =	shalt  }
0x72: {  	_ =	shalt  }
0x73: {  	_ =	shalt  }
0x74: {  	_ =	shalt  }
0x75: {  	_ =	shalt  }
0x76: {  	_ =	shalt  }
0x77: {  	_ =	shalt  }
0x78: {  	_ =	shalt  }
0x79: {  	_ =	shalt  }
0x7a: {  	_ =	shalt  }
0x7b: {  	_ =	shalt  }
0x7c: {  	_ =	shalt  }
0x7d: {  	_ =	shalt  }
0x7e: {  	_ =	shalt  }
0x7f: {  	_ =	shalt  }
0x80: {  	_ =	shalt  }
0x81: {  	_ =	shalt  }
0x82: {  	_ =	shalt  }
0x83: {  	_ =	shalt  }
0x84: {  	_ =	shalt  }
0x85: {  	_ =	shalt  }
0x86: {  	_ =	shalt  }
0x87: {  	_ =	shalt  }
.Lfunc_end0:
.L_simem_size_0:
called_computation_lowered:
.L_overlay_start_0:
0x88: {  	s2 =	sld [smem:$0x3FD9]  }
0x89: {  	s3 =	sld [smem:$0x3FFE];
	_ =	sdelay $0x1  }
0x8a: {  	s1 =	srdreg.scid  }
0x8b: {  	s0 =	sand.u32 $0x1, s1  }
0x8c: {  	s17 =	sshll.u32 s0, $0xA;
	s2 =	sadd.s32 s3, s2  }
0x8d: {  	s2 =	sadd.s32 s2, s17  }
0x8e: {  	[smem:$0x3FC2] =	sst s2  }
0x8f: {  	_ = 	snop  }
0x90: {  	s2 =	sld [smem:$0x3FD0];
	(tm) =	ssettm $0x1  }
0x91: {  	s18 =	sld [smem:$0x3FFB];
	_ =	sdelay $0x3  }
0x92: {  	_ =	strace s18  }
0x93: {  	s3 =	sld [smem:$0x3FFC];
	_ =	sdelay $0x3  }
0x94: {  	_ =	strace s3  }
0x95: {  	s3 =	sld [smem:$0x3FFD];
	_ =	sdelay $0x3  }
0x96: {  	_ =	strace s3  }
0x97: {  	_ =	strace $0x8FFFFFFF  }
0x98: {  	s19 =	sld [smem:$0x3FDB];
	_ =	sdelay $0x1  }
0x99: {  	s4 =	simm.s32 $_scs_section_size  }
0x9a: {  	s5 =	simm.s32 $_size__tile_overlayer_lowered;
	s6 =	simm.s32 $_tile_overlayer_lowered  }
0x9b: {  	s22 =	simm.s32 $0x1BFF;
	s21 =	sshll.u32 s6, $0x1;
	s3 =	sadd.s32 s4, s19  }
0x9c: {  	s7 =	simm.s32 $0x0;
	s20 =	sshll.u32 s5, $0x1;
	s5 =	sadd.s32 s21, s3  }
0x9d: {  	[timem:s7], [sflag:s22] =	dma.local [hbm:s5], s20  }
0x9e: {  	_ =	swait.ge [sflag:s22], s20  }
0x9f: {  	s4 =	ssub.s32 $0x0, s20;
	[sflag:s22] =	ssyncset.done $0x0  }
0xa0: {  	[sflag:s22] =	ssyncadd.s32 s4;
	_ =	sdelay $0x1  }
0xa1: {  	s23 =	simm.s32 $0x1B8B  }
0xa2: {  	_ =	swait.ge [sflag:s23], $0x1  }
0xa3: {  	[sflag:s23] =	ssyncset.done $0x0  }
0xa4: {  	s25 =	simm.s32 $0x1B8E;
	s24 =	sld [smem:$0x3FFE];
	[sflag:s23] =	ssyncadd.s32 $0xFFFFFFFF  }
0xa5: {  	s26 =	simm.s32 $execute0_lowered;
	[smem:$0x3FD2] =	sst s25  }
0xa6: {  	s5 =	sshll.u32 s26, $0x1;
	_ =	strace $0x80000046;
	[dreg:$0x1] =	wrdreg $0xFFFFFFFF  }
0xa7: {  	s28 =	simm.s32 $_size_execute0_lowered;
	s3 =	sadd.s32 s3, s5;
	[dreg:$0x0] =	wrdreg $0x0  }
0xa8: {  	s5 =	sshll.u32 s28, $0x1;
	[dreg:$0x2] =	wrdreg s3  }
0xa9: {  	[dreg:$0x3] =	wrdreg s5  }
0xaa: {  	[dreg:$0x4] =	wrdreg $0xC0  }
0xab: {  	_ =	task [dreg:s7], $0x5FFFF  }
0xac: {  	[dreg:$0x1] =	wrdreg $0xFFFFFFFF  }
0xad: {  	[dreg:$0x0] =	wrdreg $0x60  }
0xae: {  	[dreg:$0x2] =	wrdreg s2  }
0xaf: {  	[dreg:$0x3] =	wrdreg s24  }
0xb0: {  	[dreg:$0x4] =	wrdreg $0x90000  }
0xb1: {  	[dreg:$0x5] =	wrdreg $0x9  }
0xb2: {  	_ =	task.clear_ibuf [dreg:s7], $0x6FFFF;
	_ =	strace $0x90000046  }
0xb3: {  	s29 =	simm.s32 $0x9;
	_ =	strace $0x80000048  }
0xb4: {  	_ =	swait.ge [sflag:s29], $0x1  }
0xb5: {  	[sflag:s29] =	ssyncadd.s32 $0xFFFFFFFF  }
0xb6: {  	_ =	strace $0x90000048  }
0xb7: {  	_ =	sfence  }
0xb8: {  	s30 =	sld [smem:$0x0];
	_ =	sdelay $0x2  }
0xb9: {  	s31 =	sshll.u32 s1, $0xD;
	s1 =	sshrl.u32 s1, $0x2  }
0xba: {  	s3 =	sand.u32 $0x4000, s31;
	s1 =	sadd.s32 s1, s30  }
0xbb: {  	s0 =	sor.u32 s3, s0;
	s1 =	sshll.u32 s1, $0x11  }
0xbc: {  	s0 =	sor.u32 s1, s0  }
0xbd: {  	s0 =	sadd.s32 $0x8F2B, s0  }
0xbe: {  	[sflag:s0] =	ssyncadd.remote.s32 $0x1  }
0xbf: {  	_ =	sfence.sel $0xFFFF  }
0xc0: {  	[dreg:$0x0] =	wrdreg $0xFFFFFFFF;
	(pc) =	sbr.abs _section_cstart, $3  }
0xc1: {  	[dreg:$0x1] =	wrdreg $0xFFFFFFFF  }
0xc2: {  	_ =	task.clear_ibuf [dreg:s7], $0x2FFFF;
	_ =	strace $0x9FFFFFFF  }
0xc3: {  	(tm) =	ssettm $0x7FFFFFFF  }
tec
execute0_lowered:
.L_overlay_start_1:
0x0: {  	(tag) =	ssettag $0x1  }
0x1: {  	s9 =	rddreg [dreg:$0x0]  }
0x2: {  	s6 =	rddreg [dreg:$0x1]  }
0x3: {  	s1 =	rddreg [dreg:$0x2]  }
0x4: {  	s2 =	srdreg.scid;
	s0 =	rddreg [dreg:$0x3];
	s3 =	simm.s32 $0x0  }
0x5: {  	s15 =	simm.s32 $0x80;
	s7 =	sand.u32 $0x1, s2;
	s2 =	stileid.u32  }
0x6: {  	s16 =	simm.s32 $0x0;
	[smem:$0x7FF] =	sst s3;
	s5 =	smul.u32 $0x140000, s7  }
0x7: {  	s10 =	sadd.s32 $0x2000, s6;
	s4 =	sadd.s32 $0xC000, s6;
	s8 =	smul.u32 $0x14000, s2  }
0x8: {  	_ =	strace $0x80000047;
	s11 =	ssub.s32 $0x2, s7;
	s12 =	smul.u32 $0x50000, s2  }
0x9: {  	s29 =	smul.u32 $0x2800, s2;
	s30 =	sshll.u32 s2, $0x6;
	p0 =	seq.s32 s7, $0x1  }
0xa: {  	s14 =	smul.u32 $0x500, s2;
	s26 =	sshrl.u32 s11, $0x1;
	s9 =	smov.u32 @p0 s10  }
0xb: {  	s5 =	sadd.s32 s8, s5;
	s11 =	ssub.s32 s11, s26;
	s28 =	sshrl.u32 s12, $0x2  }
0xc: {  	s31 =	sshrl.u32 s29, $0x3;
	s12 =	simm.s32 $0x1;
	s8 =	sshrl.u32 s5, $0x3  }
0xd: {  	s5 =	sadd.s32 $0xC800, s6;
	s13 =	sadd.s32 s28, s1;
	s10 =	sadd.s32 s9, s31  }
0xe: {  	s9 =	sadd.s32 s9, s14;
	s14 =	simm.s32 $0x2780;
	s8 =	sadd.s32 s8, s6  }
0xf: {  	s6 =	sor.u32 $0x1C01, s30;
	s10 =	sadd.s32 $0x5000, s10;
	s7 =	sadd.s32 $0xF000, s8  }
0x10: {  	s8 =	smax.u32 s11, $0x1;
	s11 =	sshrl.u32 s13, $0x3;
	s13 =	simm.s32 $0x5000  }
.LBB2_1:
0x11: {  	[spmem:s11], [sflag:s6] =	dma.local [hbm:s5], $0x2800  }
0x12: {  	_ =	swait.ge [sflag:s12], $0x2800  }
0x13: {  	[sflag:s12] =	ssyncset.done $0x0  }
0x14: {  	[sflag:s12] =	ssyncadd.s32 $0xFFFFD800  }
0x15: {  	[tilespmem:s13], [sflag:$0x1] =	stream.linear.gather [hbm4b:s4+s3], $0x4000, $0x38;
	[tilespmem:$0x1D000] =	vst v63  }
0x16: {  	_ =	swait.ge [sflag:s12], $0x4000  }
0x17: {  	[sflag:s12] =	ssyncset.done $0x0  }
0x18: {  	[sflag:s12] =	ssyncadd.s32 $0xFFFFC000  }
0x19: {  	[tilespmem:s3], [sflag:$0x1] =	stream.linear.gather [hbm4b:s9+s3], $0x2780, $0x38;
	[tilespmem:$0x1D000] =	vst v63  }
0x1a: {  	_ =	swait.ge [sflag:s12], $0x2780  }
0x1b: {  	[sflag:s12] =	ssyncset.done $0x0  }
0x1c: {  	[sflag:s12] =	ssyncadd.s32 $0xFFFFD880  }
0x1d: {  	[tilespmem:s14], [sflag:$0x1] =	stream.linear.gather [hbm4b:s10+s3], $0x2780, $0x38;
	[tilespmem:$0x1D000] =	vst v63  }
0x1e: {  	_ =	swait.ge [sflag:s12], $0x2780  }
0x1f: {  	[sflag:s12] =	ssyncset.done $0x0  }
0x20: {  	[sflag:s12] =	ssyncadd.s32 $0xFFFFD880  }
0x21: {  	s17 =	simm.s32 $0x0;
	[bflag:$0x0] =	sbarrier.arrive $0xFFFF  }
0x22: {  	[spmem:s1] =	stream.indirect.scatter.add.f32 [tilespmem:s13], [sflag:$0x1], $0x80, s17, s15, $0xb8;
	[tilespmem:$0x1D000] =	vst v63  }
0x23: {  	_ =	swait.ge [sflag:s12], $0x4000  }
0x24: {  	s17 =	simm.s32 $0x200;
	[sflag:s12] =	ssyncset.done $0x0  }
.LBB2_2:
0x25: {  	s18 =	sshra.s32 s17, $0x2;
	[sflag:s12] =	ssyncadd.s32 $0xFFFFC000;
	p0 =	sne.s32 s17, $0x13A00  }
0x26: {  	[spmem:s1] =	stream.indirect.scatter.add.f32 [tilespmem:s13], [sflag:$0x1], $0x80, s18, s15, $0xb8;
	[tilespmem:$0x1D000] =	vst v63  }
.Ltmp0:
0x27: {  	_ = 	snop;
	(pc) =	sbr.rel @p0 .LBB2_2-.Ltmp0, $4  }
0x28: {  	_ = 	snop  }
0x29: {  	s17 =	sadd.s32 $0x200, s17  }
0x2a: {  	_ =	swait.ge [sflag:s12], $0x4000  }
0x2b: {  	[sflag:s12] =	ssyncset.done $0x0  }
0x2c: {  	s16 =	sadd.s32 $0x1, s16  }
0x2d: {  	[sflag:s12] =	ssyncadd.s32 $0xFFFFC000;
	p0 =	sne.s32 s16, s8  }
.Ltmp1:
0x2e: {  	[bflag:$0x0] =	sbarrier.arrive $0xFFFF;
	(pc) =	sbr.rel @p0 .LBB2_1-.Ltmp1, $4  }
0x2f: {  	[hbm:s7], [sflag:s6] =	dma.local [spmem:s11], $0x2800  }
0x30: {  	_ =	swait.ge [sflag:s12], $0x2800  }
0x31: {  	[sflag:s12] =	ssyncset.done $0x0  }
0x32: {  	[sflag:s12] =	ssyncadd.s32 $0xFFFFD800  }
0x33: {  	_ =	sfence.sel $0x180000  }
0x34: {  	[bflag:$0x0] =	sbarrier.arrive $0xFFFF  }
0x35: {  	p0 =	sne.s32 s2, $0x0;
	_ =	strace $0x90000047  }
0x36: {  	s0 =	sadd.s32 @!p0 $0x100000, s0;
	[bflag:$0x2] =	sbarrier.arrive $0xFFFF  }
0x37: {  	[sflag:s0] =	ssyncadd.tile.s32 @!p0 $0x1;
	_ =	shalt  }
.Lfunc_end2:
_tile_overlayer_lowered:
.L_overlay_start_2:
0x38: {  	(tag) =	ssettag $0x2  }
0x39: {  	s0 =	rddreg [dreg:$0x0];
	s2 =	stileid.u32  }
0x3a: {  	s1 =	rddreg [dreg:$0x1];
	p0 =	sne.s32 s2, $0x0  }
0x3b: {  	s3 =	rddreg [dreg:$0x2];
	[bflag:$0x3] =	sbarrier.arrive $0xFFFF;
	s2 =	simm.s32 @!p0 $0x1C01  }
0x3c: {  	[timem:s3], [sflag:s2] =	dma.local @!p0 [hbm:s0], s1  }
0x3d: {  	s0 =	simm.s32 @!p0 $0x1  }
0x3e: {  	_ =	swait.ge @!p0 [sflag:s0], s1  }
0x3f: {  	s1 =	ssub.s32 @!p0 $0x0, s1;
	[sflag:s0] =	ssyncset.done @!p0 $0x0  }
0x40: {  	[sflag:s0] =	ssyncadd.s32 @!p0 s1  }
0x41: {  	[bflag:$0x3] =	sbarrier.arrive $0xFFFF  }
0x42: {  	_ =	shalt  }

</sc_bundles>
